<compile_context>
chip_gen: v7x
topology: tpu7x:2x2x1
jax: 0.10.2.dev20260603
libtpu: 0.0.44.dev20260713+nightly
codegen_flags: <defaults>
</compile_context>

<pallas_src>
import functools

import jax
import jax.numpy as jnp
from jax import lax
from jax.experimental import pallas as pl
from jax.experimental.pallas import tpu as pltpu
from jax.experimental.pallas import tpu_sc as plsc

_NC = 2
_NS = 16
_CH = 128
_CR = 1
_DP = 128


def _sc_gather(table, idx2d, dists_flat, e_pad, per_w):
  assert per_w % 2 == 0
  mesh = plsc.VectorSubcoreMesh(core_axis_name="c", subcore_axis_name="s")

  @functools.partial(
      pl.kernel,
      mesh=mesh,
      compiler_params=pltpu.CompilerParams(needs_layout_passes=False),
      out_type=jax.ShapeDtypeStruct((e_pad, _DP), jnp.float32),
      scratch_types=[
          pltpu.VMEM((2, _CR, _CH), jnp.int32),
          pltpu.VMEM((2, _CR * _CH), jnp.float32),
          pltpu.VMEM((2, _CR * _CH, _DP), jnp.float32),
          pltpu.SemaphoreType.DMA, pltpu.SemaphoreType.DMA,
          pltpu.SemaphoreType.DMA, pltpu.SemaphoreType.DMA,
          pltpu.SemaphoreType.DMA, pltpu.SemaphoreType.DMA,
          pltpu.SemaphoreType.DMA, pltpu.SemaphoreType.DMA,
      ],
  )
  def gather_kernel(table_hbm, idx_hbm, dist_hbm, out_hbm, idx_v, dist_v,
                    rows_v, si0, si1, sd0, sd1, so0, so1, sg0, sg1):
    wid = lax.axis_index("s") * _NC + lax.axis_index("c")
    base = wid * per_w
    lanes = lax.iota(jnp.int32, 16)
    col3 = jnp.full((16,), 3, jnp.int32)
    si = (si0, si1)
    sd = (sd0, sd1)
    so = (so0, so1)
    sg = (sg0, sg1)

    ch = _CR * _CH

    def in_idx(row, b):
      return pltpu.make_async_copy(idx_hbm.at[pl.ds(row * _CR, _CR)],
                                   idx_v.at[b], si[b])

    def in_dist(row, b):
      return pltpu.make_async_copy(dist_hbm.at[pl.ds(row * ch, ch)],
                                   dist_v.at[b], sd[b])

    def gathers(b):
      return [
          pltpu.make_async_copy(table_hbm.at[idx_v.at[b, r]],
                                rows_v.at[b, pl.ds(r * _CH, _CH)], sg[b])
          for r in range(_CR)
      ]

    def out_copy(row, b):
      return pltpu.make_async_copy(rows_v.at[b],
                                   out_hbm.at[pl.ds(row * ch, ch)], so[b])

    in_idx(base, 0).start()
    in_dist(base, 0).start()
    in_idx(base + 1, 1).start()
    in_dist(base + 1, 1).start()
    in_idx(base, 0).wait()
    for cp in gathers(0):
      cp.start()

    def body(jj, carry):
      for b in (0, 1):
        j = jj * 2 + b
        nb = 1 - b
        row = base + j

        @pl.when(j + 1 < per_w)
        def _fire_next_gather():
          in_idx(row + 1, nb).wait()

          @pl.when(j >= 1)
          def _wait_old_out():
            out_copy(row - 1, nb).wait()

          for cp in gathers(nb):
            cp.start()

        for cp in gathers(b):
          cp.wait()
        in_dist(row, b).wait()
        for grp in range(ch // 16):
          dvec = dist_v[b, pl.ds(grp * 16, 16)]
          plsc.store_scatter(rows_v.at[b], [grp * 16 + lanes, col3], dvec)
        out_copy(row, b).start()

        @pl.when(j + 2 < per_w)
        def _start_next_in():
          in_idx(row + 2, b).start()
          in_dist(row + 2, b).start()
      return carry

    lax.fori_loop(0, per_w // 2, body, 0)
    out_copy(base + per_w - 2, 0).wait()
    out_copy(base + per_w - 1, 1).wait()

  return gather_kernel(table, idx2d, dists_flat)


def _tc_compute(g, xyzn, pts, w1p, w1a, b1, w2p, b2p, w3p, w3a, b3, w4, w5,
                b45, n, k, c, blk):
  grid = (n // blk,)
  rows = blk * k

  def body(g_ref, xyzn_ref, pts_ref, w1p_r, w1a_r, b1_r, w2p_r, b2p_r, w3p_r,
           w3a_r, b3_r, w4_r, w5_r, b45_r, out_ref):
    gv = g_ref[...]
    x3 = xyzn_ref[...]
    u = jnp.dot(x3, w1a_r[...],
                preferred_element_type=jnp.float32) + b1_r[...]
    gw = jnp.dot(gv, w1p_r[...],
                 preferred_element_type=jnp.float32)
    h3 = jnp.maximum(gw.reshape(blk, k, 32) + u[:, None, :], 0.0)
    h = h3.reshape(rows, 32)
    dk = jnp.dot(h, w2p_r[...],
                 preferred_element_type=jnp.float32) + b2p_r[...]
    dk3 = dk.reshape(blk, k, _DP)
    m = jnp.max(dk3, axis=1, keepdims=True)
    e = jnp.exp(dk3 - m)
    s = jnp.sum(e, axis=1, keepdims=True) + 1e-08
    sm = e / s
    g3 = gv.reshape(blk, k, _DP)
    agg = jnp.sum(sm * g3, axis=1)
    s3 = jnp.sum(sm[:, :, 0:3], axis=1)
    t = jnp.maximum(
        jnp.dot(agg, w3p_r[...], preferred_element_type=jnp.float32)
        + jnp.dot(s3 * x3, w3a_r[...], preferred_element_type=jnp.float32)
        + b3_r[...], 0.0)
    out_ref[...] = (
        jnp.dot(t, w4_r[...], preferred_element_type=jnp.float32)
        + jnp.dot(pts_ref[...], w5_r[...], preferred_element_type=jnp.float32)
        + b45_r[...])

  full = lambda shape: pl.BlockSpec(shape, lambda i: (0, 0))
  return pl.pallas_call(
      body,
      grid=grid,
      in_specs=[
          pl.BlockSpec((rows, _DP), lambda i: (i, 0)),
          pl.BlockSpec((blk, 3), lambda i: (i, 0)),
          pl.BlockSpec((blk, c), lambda i: (i, 0)),
          full(w1p.shape), full(w1a.shape), full(b1.shape),
          full(w2p.shape), full(b2p.shape), full(w3p.shape),
          full(w3a.shape), full(b3.shape), full(w4.shape),
          full(w5.shape), full(b45.shape),
      ],
      out_specs=pl.BlockSpec((blk, w4.shape[1]), lambda i: (i, 0)),
      out_shape=jax.ShapeDtypeStruct((n, w4.shape[1]), jnp.float32),
  )(g, xyzn, pts, w1p, w1a, b1, w2p, b2p, w3p, w3a, b3, w4, w5, b45)


def _pick_block(n):
  for blk in (400, 1000, 800, 200, 80, 40, 16, 8):
    if n % blk == 0:
      return blk
  return n


def kernel(xyz, xyz_nn, points, knn, dists, W1, b1, W2, b2, W3, b3, W4, b4,
           W5, b5):
  B, N, K = knn.shape
  C = points.shape[-1]
  din = C + 4
  BN = B * N
  E = BN * K

  f32 = jnp.float32
  table = jnp.concatenate(
      [
          xyz_nn.reshape(BN, 3).astype(f32),
          jnp.zeros((BN, 1), f32),
          points.reshape(BN, C).astype(f32),
          jnp.zeros((BN, _DP - din), f32),
      ],
      axis=1)

  idx = knn.astype(jnp.int32)
  if B > 1:
    idx = idx + (jnp.arange(B, dtype=jnp.int32) * N)[:, None, None]
  idx = idx.reshape(-1)

  n_sl = 2
  while n_sl > 1 and BN % n_sl:
    n_sl -= 1
  bn_s = BN // n_sl
  e_s = bn_s * K
  per_w = -(-e_s // (_CR * _CH * _NC * _NS))
  per_w = per_w + (per_w % 2)
  e_pad = per_w * _CR * _CH * _NC * _NS
  idx_sl = jnp.pad(idx.reshape(n_sl, e_s), ((0, 0), (0, e_pad - e_s)))
  d_sl = jnp.pad(dists.astype(f32).reshape(n_sl, e_s),
                 ((0, 0), (0, e_pad - e_s)))

  xyzn = xyz.reshape(BN, 3).astype(f32)

  pad_rows = lambda w, r: jnp.pad(w.astype(f32), ((0, r - w.shape[0]), (0, 0)))
  w1p = pad_rows(W1, _DP)
  w1a = -W1[0:3].astype(f32)
  w2p = jnp.pad(W2.astype(f32), ((0, 0), (0, _DP - din)))
  b2p = jnp.pad(b2.astype(f32), (0, _DP - din)).reshape(1, _DP)
  w3p = pad_rows(W3, _DP)
  w3a = -W3[0:3].astype(f32)

  pts = points.reshape(BN, C).astype(f32)
  b1r = b1.astype(f32).reshape(1, -1)
  b3r = b3.astype(f32).reshape(1, -1)
  b45 = (b4 + b5).astype(f32).reshape(1, -1)
  w4 = W4.astype(f32)
  w5 = W5.astype(f32)
  blk = _pick_block(bn_s)

  outs = []
  for i in range(n_sl):
    g = _sc_gather(table, idx_sl[i].reshape(e_pad // _CH, _CH), d_sl[i],
                   e_pad, per_w)
    sl = slice(i * bn_s, (i + 1) * bn_s)
    outs.append(_tc_compute(
        g, xyzn[sl], pts[sl], w1p, w1a, b1r, w2p, b2p, w3p, w3a, b3r,
        w4, w5, b45, bn_s, K, C, blk))
  out = jnp.concatenate(outs, axis=0)

  return (xyz, out.reshape(B, N, -1))

# --- scband reference (transcript-rebuilt; emitter-appended) ---
"""Pipeline reference for scband-dynamic-filter-40312563040277 (READ-ONLY COPY).

The authoritative reference and input builder live on the scoring server;
editing this copy changes nothing except your own understanding.
"""

import jax, jax.numpy as jnp
import numpy as np


def index_points(points, idx):
    # points: [B, N, C], idx: [B, N, K] -> [B, N, K, C]
    return jax.vmap(lambda p, i: p[i])(points, idx)


def masked_softmax(A, mask, axis):
    A_max = jnp.max(A, axis=axis, keepdims=True)
    A_exp = jnp.exp(A - A_max)
    A_exp = A_exp * mask
    return A_exp / (jnp.sum(A_exp, axis=axis, keepdims=True) + 1e-08)


def setup_inputs(seed: int = 0) -> dict:
    key = jax.random.key(seed)
    ks = jax.random.split(key, 16)
    B, N, K, C = 1, 50000, 16, 64
    din = C + 4  # 68
    inp = {}
    inp['xyz'] = jax.random.normal(ks[0], (B, N, 3), dtype=jnp.float32)
    inp['xyz_nn'] = jax.random.normal(ks[1], (B, N, 3), dtype=jnp.float32)
    inp['points'] = jax.random.normal(ks[2], (B, N, C), dtype=jnp.float32)
    inp['knn'] = jax.random.randint(ks[3], (B, N, K), 0, N, dtype=jnp.int64)
    inp['dists'] = jax.random.uniform(ks[4], (B, N, K), dtype=jnp.float32)
    # depth_kernel_mlp: Linear(68,32) -> ReLU -> Linear(32,68)
    inp['W1'] = jax.random.normal(ks[5], (din, 32), dtype=jnp.float32) * 0.05
    inp['b1'] = jnp.zeros((32,), dtype=jnp.float32)
    inp['W2'] = jax.random.normal(ks[6], (32, din), dtype=jnp.float32) * 0.05
    inp['b2'] = jnp.zeros((din,), dtype=jnp.float32)
    # mlp: Linear(68,64) -> ReLU -> Linear(64,64)
    inp['W3'] = jax.random.normal(ks[7], (din, 64), dtype=jnp.float32) * 0.05
    inp['b3'] = jnp.zeros((64,), dtype=jnp.float32)
    inp['W4'] = jax.random.normal(ks[8], (64, 64), dtype=jnp.float32) * 0.05
    inp['b4'] = jnp.zeros((64,), dtype=jnp.float32)
    # shortcut: Linear(64,64)
    inp['W5'] = jax.random.normal(ks[9], (C, 64), dtype=jnp.float32) * 0.05
    inp['b5'] = jnp.zeros((64,), dtype=jnp.float32)
    return inp


def reference(xyz, xyz_nn, points, knn, dists, W1, b1, W2, b2, W3, b3, W4, b4, W5, b5):
    mask = jnp.ones(knn.shape, dtype=jnp.float32)
    sampled_xyz_nn = index_points(xyz_nn, knn)                      # [B,N,K,3]
    grouped_xyz = jnp.concatenate(
        [sampled_xyz_nn - xyz[:, :, None, :], dists[..., None]], axis=-1)  # [B,N,K,4]
    grouped_points = jnp.concatenate(
        [grouped_xyz, index_points(points, knn)], axis=-1)          # [B,N,K,68]
    # depth kernel MLP
    h = jax.nn.relu(grouped_points @ W1 + b1)
    dynamic_kernel = h @ W2 + b2                                    # [B,N,K,68]
    dynamic_kernel = masked_softmax(dynamic_kernel, mask[..., None], axis=2)
    gp = jnp.sum(dynamic_kernel * grouped_points, axis=2)           # [B,N,68]
    # output MLP
    gp = jax.nn.relu(gp @ W3 + b3)
    gp = gp @ W4 + b4
    out = (points @ W5 + b5) + gp
    return (xyz, out)

if __name__ == "__main__":
    import jax
    _d = setup_inputs()
    print(jax.jit(kernel)(*tuple(_d.values())))

</pallas_src>

<mosaic_0001>
#map = affine_map<(d0, d1) -> (0, 0)>
#map1 = affine_map<(d0, d1) -> (0)>
module attributes {stable_mosaic.version = 14 : i64} {
  func.func @gather_kernel(%arg0: i32, %arg1: i32, %arg2: memref<50000x128xf32, #tpu.memory_space<hbm>>, %arg3: memref<3136x128xi32, #tpu.memory_space<hbm>>, %arg4: memref<401408xf32, #tpu.memory_space<hbm>>, %arg5: memref<401408x128xf32, #tpu.memory_space<hbm>>, %arg6: memref<2x1x128xi32, #tpu.memory_space<vmem>>, %arg7: memref<2x128xf32, #tpu.memory_space<vmem>>, %arg8: memref<2x128x128xf32, #tpu.memory_space<vmem>>, %arg9: memref<!tpu.dma_semaphore, #tpu.memory_space<semaphore_mem>>, %arg10: memref<!tpu.dma_semaphore, #tpu.memory_space<semaphore_mem>>, %arg11: memref<!tpu.dma_semaphore, #tpu.memory_space<semaphore_mem>>, %arg12: memref<!tpu.dma_semaphore, #tpu.memory_space<semaphore_mem>>, %arg13: memref<!tpu.dma_semaphore, #tpu.memory_space<semaphore_mem>>, %arg14: memref<!tpu.dma_semaphore, #tpu.memory_space<semaphore_mem>>, %arg15: memref<!tpu.dma_semaphore, #tpu.memory_space<semaphore_mem>>, %arg16: memref<!tpu.dma_semaphore, #tpu.memory_space<semaphore_mem>>) attributes {dimension_semantics = [#tpu.dimension_semantics<core_parallel>, #tpu.dimension_semantics<subcore_parallel>], iteration_bounds = array<i64: 2, 16>, scalar_prefetch = 0 : i64, scratch_operands = 11 : i64, tpu.core_type = #tpu.core_type<sc_vector_subcore>, window_params = [{transform_indices = #map}, {transform_indices = #map}, {transform_indices = #map1}, {transform_indices = #map}]} {
    %mul3A = arith.constant 2 : i32
    %mul3A_0 = arith.muli %arg1, %mul3A : i32
    %add3A = arith.addi %mul3A_0, %arg0 : i32
    %mul3A_1 = arith.constant 98 : i32
    %mul3A_2 = arith.muli %add3A, %mul3A_1 : i32
    %iota3A = tpu.iota {dimensions = array<i32: 0>} : vector<16xi32>
    %broadcast_in_dim3A = arith.constant 3 : i32
    %broadcast_in_dim3A_3 = vector.broadcast %broadcast_in_dim3A : i32 to vector<16xi32>
    %mul3A_4 = arith.constant 1 : i32
    %mul3A_5 = arith.muli %mul3A_2, %mul3A_4 : i32
    %dma_start3A = arith.constant 0 : i32
    %dma_start3A_6 = arith.constant 0 : i32
    %dma_start3A_7 = arith.constant 0 : i32
    %dma_start3A_8 = tpu.memref_slice %arg6[%dma_start3A, %dma_start3A_6, %dma_start3A_7] : memref<2x1x128xi32, #tpu.memory_space<vmem>> -> memref<1x1x128xi32, #tpu.memory_space<vmem>>
    %dma_start3A_9 = tpu.memref_squeeze %dma_start3A_8 : memref<1x1x128xi32, #tpu.memory_space<vmem>> -> memref<1x128xi32, #tpu.memory_space<vmem>>
    %dma_start3A_10 = arith.constant 0 : i32
    %dma_start3A_11 = tpu.memref_slice %arg3[%mul3A_5, %dma_start3A_10] : memref<3136x128xi32, #tpu.memory_space<hbm>> -> memref<1x128xi32, #tpu.memory_space<hbm>>
    %dma_start3A_12 = arith.constant 0 : i32
    %dma_start3A_13 = arith.constant 0 : i32
    %dma_start3A_14 = tpu.memref_slice %arg6[%dma_start3A, %dma_start3A_12, %dma_start3A_13] : memref<2x1x128xi32, #tpu.memory_space<vmem>> -> memref<1x1x128xi32, #tpu.memory_space<vmem>>
    %dma_start3A_15 = tpu.memref_squeeze %dma_start3A_14 : memref<1x1x128xi32, #tpu.memory_space<vmem>> -> memref<1x128xi32, #tpu.memory_space<vmem>>
    %dma_start3A_16 = arith.constant 0 : i32
    %dma_start3A_17 = tpu.memref_slice %arg3[%mul3A_5, %dma_start3A_16] : memref<3136x128xi32, #tpu.memory_space<hbm>> -> memref<1x128xi32, #tpu.memory_space<hbm>>
    tpu.enqueue_dma source(%dma_start3A_17 : memref<1x128xi32, #tpu.memory_space<hbm>>) target(%dma_start3A_15 : memref<1x128xi32, #tpu.memory_space<vmem>>) target_semaphore(%arg9 : memref<!tpu.dma_semaphore, #tpu.memory_space<semaphore_mem>>)
    %mul3A_18 = arith.constant 128 : i32
    %mul3A_19 = arith.muli %mul3A_2, %mul3A_18 : i32
    %dma_start3A_20 = arith.constant 0 : i32
    %dma_start3A_21 = arith.constant 0 : i32
    %dma_start3A_22 = tpu.memref_slice %arg7[%dma_start3A_20, %dma_start3A_21] : memref<2x128xf32, #tpu.memory_space<vmem>> -> memref<1x128xf32, #tpu.memory_space<vmem>>
    %dma_start3A_23 = tpu.memref_squeeze %dma_start3A_22 : memref<1x128xf32, #tpu.memory_space<vmem>> -> memref<128xf32, #tpu.memory_space<vmem>>
    %dma_start3A_24 = tpu.memref_slice %arg4[%mul3A_19] : memref<401408xf32, #tpu.memory_space<hbm>> -> memref<128xf32, #tpu.memory_space<hbm>>
    %dma_start3A_25 = arith.constant 0 : i32
    %dma_start3A_26 = tpu.memref_slice %arg7[%dma_start3A_20, %dma_start3A_25] : memref<2x128xf32, #tpu.memory_space<vmem>> -> memref<1x128xf32, #tpu.memory_space<vmem>>
    %dma_start3A_27 = tpu.memref_squeeze %dma_start3A_26 : memref<1x128xf32, #tpu.memory_space<vmem>> -> memref<128xf32, #tpu.memory_space<vmem>>
    %dma_start3A_28 = tpu.memref_slice %arg4[%mul3A_19] : memref<401408xf32, #tpu.memory_space<hbm>> -> memref<128xf32, #tpu.memory_space<hbm>>
    tpu.enqueue_dma source(%dma_start3A_28 : memref<128xf32, #tpu.memory_space<hbm>>) target(%dma_start3A_27 : memref<128xf32, #tpu.memory_space<vmem>>) target_semaphore(%arg11 : memref<!tpu.dma_semaphore, #tpu.memory_space<semaphore_mem>>)
    %add3A_29 = arith.constant 1 : i32
    %add3A_30 = arith.addi %mul3A_2, %add3A_29 : i32
    %mul3A_31 = arith.constant 1 : i32
    %mul3A_32 = arith.muli %add3A_30, %mul3A_31 : i32
    %dma_start3A_33 = arith.constant 1 : i32
    %dma_start3A_34 = arith.constant 0 : i32
    %dma_start3A_35 = arith.constant 0 : i32
    %dma_start3A_36 = tpu.memref_slice %arg6[%dma_start3A_33, %dma_start3A_34, %dma_start3A_35] : memref<2x1x128xi32, #tpu.memory_space<vmem>> -> memref<1x1x128xi32, #tpu.memory_space<vmem>>
    %dma_start3A_37 = tpu.memref_squeeze %dma_start3A_36 : memref<1x1x128xi32, #tpu.memory_space<vmem>> -> memref<1x128xi32, #tpu.memory_space<vmem>>
    %dma_start3A_38 = arith.constant 0 : i32
    %dma_start3A_39 = tpu.memref_slice %arg3[%mul3A_32, %dma_start3A_38] : memref<3136x128xi32, #tpu.memory_space<hbm>> -> memref<1x128xi32, #tpu.memory_space<hbm>>
    %dma_start3A_40 = arith.constant 0 : i32
    %dma_start3A_41 = arith.constant 0 : i32
    %dma_start3A_42 = tpu.memref_slice %arg6[%dma_start3A_33, %dma_start3A_40, %dma_start3A_41] : memref<2x1x128xi32, #tpu.memory_space<vmem>> -> memref<1x1x128xi32, #tpu.memory_space<vmem>>
    %dma_start3A_43 = tpu.memref_squeeze %dma_start3A_42 : memref<1x1x128xi32, #tpu.memory_space<vmem>> -> memref<1x128xi32, #tpu.memory_space<vmem>>
    %dma_start3A_44 = arith.constant 0 : i32
    %dma_start3A_45 = tpu.memref_slice %arg3[%mul3A_32, %dma_start3A_44] : memref<3136x128xi32, #tpu.memory_space<hbm>> -> memref<1x128xi32, #tpu.memory_space<hbm>>
    tpu.enqueue_dma source(%dma_start3A_45 : memref<1x128xi32, #tpu.memory_space<hbm>>) target(%dma_start3A_43 : memref<1x128xi32, #tpu.memory_space<vmem>>) target_semaphore(%arg10 : memref<!tpu.dma_semaphore, #tpu.memory_space<semaphore_mem>>)
    %add3A_46 = arith.constant 1 : i32
    %add3A_47 = arith.addi %mul3A_2, %add3A_46 : i32
    %mul3A_48 = arith.constant 128 : i32
    %mul3A_49 = arith.muli %add3A_47, %mul3A_48 : i32
    %dma_start3A_50 = arith.constant 1 : i32
    %dma_start3A_51 = arith.constant 0 : i32
    %dma_start3A_52 = tpu.memref_slice %arg7[%dma_start3A_50, %dma_start3A_51] : memref<2x128xf32, #tpu.memory_space<vmem>> -> memref<1x128xf32, #tpu.memory_space<vmem>>
    %dma_start3A_53 = tpu.memref_squeeze %dma_start3A_52 : memref<1x128xf32, #tpu.memory_space<vmem>> -> memref<128xf32, #tpu.memory_space<vmem>>
    %dma_start3A_54 = tpu.memref_slice %arg4[%mul3A_49] : memref<401408xf32, #tpu.memory_space<hbm>> -> memref<128xf32, #tpu.memory_space<hbm>>
    %dma_start3A_55 = arith.constant 0 : i32
    %dma_start3A_56 = tpu.memref_slice %arg7[%dma_start3A_50, %dma_start3A_55] : memref<2x128xf32, #tpu.memory_space<vmem>> -> memref<1x128xf32, #tpu.memory_space<vmem>>
    %dma_start3A_57 = tpu.memref_squeeze %dma_start3A_56 : memref<1x128xf32, #tpu.memory_space<vmem>> -> memref<128xf32, #tpu.memory_space<vmem>>
    %dma_start3A_58 = tpu.memref_slice %arg4[%mul3A_49] : memref<401408xf32, #tpu.memory_space<hbm>> -> memref<128xf32, #tpu.memory_space<hbm>>
    tpu.enqueue_dma source(%dma_start3A_58 : memref<128xf32, #tpu.memory_space<hbm>>) target(%dma_start3A_57 : memref<128xf32, #tpu.memory_space<vmem>>) target_semaphore(%arg12 : memref<!tpu.dma_semaphore, #tpu.memory_space<semaphore_mem>>)
    %mul3A_59 = arith.constant 1 : i32
    %mul3A_60 = arith.muli %mul3A_2, %mul3A_59 : i32
    %dma_wait3A = arith.constant 0 : i32
    %dma_wait3A_61 = arith.constant 0 : i32
    %dma_wait3A_62 = arith.constant 0 : i32
    %dma_wait3A_63 = tpu.memref_slice %arg6[%dma_wait3A, %dma_wait3A_61, %dma_wait3A_62] : memref<2x1x128xi32, #tpu.memory_space<vmem>> -> memref<1x1x128xi32, #tpu.memory_space<vmem>>
    %dma_wait3A_64 = tpu.memref_squeeze %dma_wait3A_63 : memref<1x1x128xi32, #tpu.memory_space<vmem>> -> memref<1x128xi32, #tpu.memory_space<vmem>>
    %dma_wait3A_65 = arith.constant 0 : i32
    %dma_wait3A_66 = tpu.memref_slice %arg3[%mul3A_60, %dma_wait3A_65] : memref<3136x128xi32, #tpu.memory_space<hbm>> -> memref<1x128xi32, #tpu.memory_space<hbm>>
    %dma_wait3A_67 = arith.constant 0 : i32
    %dma_wait3A_68 = arith.constant 0 : i32
    %dma_wait3A_69 = tpu.memref_slice %arg6[%dma_wait3A, %dma_wait3A_67, %dma_wait3A_68] : memref<2x1x128xi32, #tpu.memory_space<vmem>> -> memref<1x1x128xi32, #tpu.memory_space<vmem>>
    %dma_wait3A_70 = tpu.memref_squeeze %dma_wait3A_69 : memref<1x1x128xi32, #tpu.memory_space<vmem>> -> memref<1x128xi32, #tpu.memory_space<vmem>>
    %dma_wait3A_71 = arith.constant 0 : i32
    %dma_wait3A_72 = tpu.memref_slice %arg3[%mul3A_60, %dma_wait3A_71] : memref<3136x128xi32, #tpu.memory_space<hbm>> -> memref<1x128xi32, #tpu.memory_space<hbm>>
    tpu.wait_dma2 semaphore(%arg9 : memref<!tpu.dma_semaphore, #tpu.memory_space<semaphore_mem>>) src(%dma_wait3A_72 : memref<1x128xi32, #tpu.memory_space<hbm>>) dst(%dma_wait3A_70 : memref<1x128xi32, #tpu.memory_space<vmem>>)
    %dma_start3A_73 = arith.constant 0 : i32
    %dma_start3A_74 = arith.constant 0 : i32
    %dma_start3A_75 = arith.constant 0 : i32
    %dma_start3A_76 = arith.constant 0 : i32
    %dma_start3A_77 = arith.constant 0 : i32
    %dma_start3A_78 = tpu.memref_slice %arg8[%dma_start3A_75, %dma_start3A_76, %dma_start3A_77] : memref<2x128x128xf32, #tpu.memory_space<vmem>> -> memref<1x128x128xf32, #tpu.memory_space<vmem>>
    %dma_start3A_79 = tpu.memref_squeeze %dma_start3A_78 : memref<1x128x128xf32, #tpu.memory_space<vmem>> -> memref<128x128xf32, #tpu.memory_space<vmem>>
    %dma_start3A_80 = arith.constant 0 : i32
    %dma_start3A_81 = tpu.memref_slice %arg6[%dma_start3A_73, %dma_start3A_74, %dma_start3A_80] : memref<2x1x128xi32, #tpu.memory_space<vmem>> -> memref<1x1x128xi32, #tpu.memory_space<vmem>>
    %dma_start3A_82 = tpu.memref_squeeze %dma_start3A_81 : memref<1x1x128xi32, #tpu.memory_space<vmem>> -> memref<128xi32, #tpu.memory_space<vmem>>
    %dma_start3A_83 = arith.constant 0 : i32
    %dma_start3A_84 = arith.constant 0 : i32
    %dma_start3A_85 = tpu.memref_slice %arg2[%dma_start3A_83, %dma_start3A_84] : memref<50000x128xf32, #tpu.memory_space<hbm>> -> memref<50000x128xf32, #tpu.memory_space<hbm>>
    tpu.enqueue_indirect_dma source(%dma_start3A_85 : memref<50000x128xf32, #tpu.memory_space<hbm>>) target(%dma_start3A_79 : memref<128x128xf32, #tpu.memory_space<vmem>>) offsets(%dma_start3A_82 : memref<128xi32, #tpu.memory_space<vmem>>) semaphore(%arg15 : memref<!tpu.dma_semaphore, #tpu.memory_space<semaphore_mem>>)
    %scan3A = arith.constant 0 : i32
    %scan3A_86 = arith.constant 0 : i32
    %scan3A_87 = arith.constant 49 : i32
    %scan3A_88 = arith.addi %scan3A_86, %scan3A_87 : i32
    %scan3A_89 = arith.constant 1 : i32
    scf.for %scan3A_128 = %scan3A_86 to %scan3A_88 step %scan3A_89  : i32 {
      %mul3A_129 = arith.constant 2 : i32
      %mul3A_130 = arith.muli %scan3A_128, %mul3A_129 : i32
      %add3A_131 = arith.constant 0 : i32
      %add3A_132 = arith.addi %mul3A_130, %add3A_131 : i32
      %add3A_133 = arith.addi %mul3A_2, %add3A_132 : i32
      %add3A_134 = arith.constant 1 : i32
      %add3A_135 = arith.addi %add3A_132, %add3A_134 : i32
      %lt3A = arith.constant 98 : i32
      %lt3A_136 = arith.cmpi slt, %add3A_135, %lt3A : i32
      %convert_element_type3A = arith.extui %lt3A_136 : i1 to i32
      %cond3A = arith.constant 0 : i32
      %cond3A_137 = arith.cmpi ne, %convert_element_type3A, %cond3A : i32
      scf.if %cond3A_137 {
        %add3A_432 = arith.constant 1 : i32
        %add3A_433 = arith.addi %add3A_133, %add3A_432 : i32
        %mul3A_434 = arith.constant 1 : i32
        %mul3A_435 = arith.muli %add3A_433, %mul3A_434 : i32
        %dma_wait3A_436 = arith.constant 1 : i32
        %dma_wait3A_437 = arith.constant 0 : i32
        %dma_wait3A_438 = arith.constant 0 : i32
        %dma_wait3A_439 = tpu.memref_slice %arg6[%dma_wait3A_436, %dma_wait3A_437, %dma_wait3A_438] : memref<2x1x128xi32, #tpu.memory_space<vmem>> -> memref<1x1x128xi32, #tpu.memory_space<vmem>>
        %dma_wait3A_440 = tpu.memref_squeeze %dma_wait3A_439 : memref<1x1x128xi32, #tpu.memory_space<vmem>> -> memref<1x128xi32, #tpu.memory_space<vmem>>
        %dma_wait3A_441 = arith.constant 0 : i32
        %dma_wait3A_442 = tpu.memref_slice %arg3[%mul3A_435, %dma_wait3A_441] : memref<3136x128xi32, #tpu.memory_space<hbm>> -> memref<1x128xi32, #tpu.memory_space<hbm>>
        %dma_wait3A_443 = arith.constant 0 : i32
        %dma_wait3A_444 = arith.constant 0 : i32
        %dma_wait3A_445 = tpu.memref_slice %arg6[%dma_wait3A_436, %dma_wait3A_443, %dma_wait3A_444] : memref<2x1x128xi32, #tpu.memory_space<vmem>> -> memref<1x1x128xi32, #tpu.memory_space<vmem>>
        %dma_wait3A_446 = tpu.memref_squeeze %dma_wait3A_445 : memref<1x1x128xi32, #tpu.memory_space<vmem>> -> memref<1x128xi32, #tpu.memory_space<vmem>>
        %dma_wait3A_447 = arith.constant 0 : i32
        %dma_wait3A_448 = tpu.memref_slice %arg3[%mul3A_435, %dma_wait3A_447] : memref<3136x128xi32, #tpu.memory_space<hbm>> -> memref<1x128xi32, #tpu.memory_space<hbm>>
        tpu.wait_dma2 semaphore(%arg10 : memref<!tpu.dma_semaphore, #tpu.memory_space<semaphore_mem>>) src(%dma_wait3A_448 : memref<1x128xi32, #tpu.memory_space<hbm>>) dst(%dma_wait3A_446 : memref<1x128xi32, #tpu.memory_space<vmem>>)
        %ge3A = arith.constant 1 : i32
        %ge3A_449 = arith.cmpi sge, %add3A_132, %ge3A : i32
        %convert_element_type3A_450 = arith.extui %ge3A_449 : i1 to i32
        %cond3A_451 = arith.constant 0 : i32
        %cond3A_452 = arith.cmpi ne, %convert_element_type3A_450, %cond3A_451 : i32
        scf.if %cond3A_452 {
          %sub3A_466 = arith.constant 1 : i32
          %sub3A_467 = arith.subi %add3A_133, %sub3A_466 : i32
          %mul3A_468 = arith.constant 128 : i32
          %mul3A_469 = arith.muli %sub3A_467, %mul3A_468 : i32
          %dma_wait3A_470 = arith.constant 1 : i32
          %dma_wait3A_471 = arith.constant 0 : i32
          %dma_wait3A_472 = arith.constant 0 : i32
          %dma_wait3A_473 = tpu.memref_slice %arg8[%dma_wait3A_470, %dma_wait3A_471, %dma_wait3A_472] : memref<2x128x128xf32, #tpu.memory_space<vmem>> -> memref<1x128x128xf32, #tpu.memory_space<vmem>>
          %dma_wait3A_474 = tpu.memref_squeeze %dma_wait3A_473 : memref<1x128x128xf32, #tpu.memory_space<vmem>> -> memref<128x128xf32, #tpu.memory_space<vmem>>
          %dma_wait3A_475 = arith.constant 0 : i32
          %dma_wait3A_476 = tpu.memref_slice %arg5[%mul3A_469, %dma_wait3A_475] : memref<401408x128xf32, #tpu.memory_space<hbm>> -> memref<128x128xf32, #tpu.memory_space<hbm>>
          %dma_wait3A_477 = arith.constant 0 : i32
          %dma_wait3A_478 = tpu.memref_slice %arg5[%mul3A_469, %dma_wait3A_477] : memref<401408x128xf32, #tpu.memory_space<hbm>> -> memref<128x128xf32, #tpu.memory_space<hbm>>
          %dma_wait3A_479 = arith.constant 0 : i32
          %dma_wait3A_480 = arith.constant 0 : i32
          %dma_wait3A_481 = tpu.memref_slice %arg8[%dma_wait3A_470, %dma_wait3A_479, %dma_wait3A_480] : memref<2x128x128xf32, #tpu.memory_space<vmem>> -> memref<1x128x128xf32, #tpu.memory_space<vmem>>
          %dma_wait3A_482 = tpu.memref_squeeze %dma_wait3A_481 : memref<1x128x128xf32, #tpu.memory_space<vmem>> -> memref<128x128xf32, #tpu.memory_space<vmem>>
          tpu.wait_dma2 semaphore(%arg14 : memref<!tpu.dma_semaphore, #tpu.memory_space<semaphore_mem>>) src(%dma_wait3A_482 : memref<128x128xf32, #tpu.memory_space<vmem>>) dst(%dma_wait3A_478 : memref<128x128xf32, #tpu.memory_space<hbm>>)
        } else {
        }
        %dma_start3A_453 = arith.constant 1 : i32
        %dma_start3A_454 = arith.constant 0 : i32
        %dma_start3A_455 = arith.constant 1 : i32
        %dma_start3A_456 = arith.constant 0 : i32
        %dma_start3A_457 = arith.constant 0 : i32
        %dma_start3A_458 = tpu.memref_slice %arg8[%dma_start3A_455, %dma_start3A_456, %dma_start3A_457] : memref<2x128x128xf32, #tpu.memory_space<vmem>> -> memref<1x128x128xf32, #tpu.memory_space<vmem>>
        %dma_start3A_459 = tpu.memref_squeeze %dma_start3A_458 : memref<1x128x128xf32, #tpu.memory_space<vmem>> -> memref<128x128xf32, #tpu.memory_space<vmem>>
        %dma_start3A_460 = arith.constant 0 : i32
        %dma_start3A_461 = tpu.memref_slice %arg6[%dma_start3A_453, %dma_start3A_454, %dma_start3A_460] : memref<2x1x128xi32, #tpu.memory_space<vmem>> -> memref<1x1x128xi32, #tpu.memory_space<vmem>>
        %dma_start3A_462 = tpu.memref_squeeze %dma_start3A_461 : memref<1x1x128xi32, #tpu.memory_space<vmem>> -> memref<128xi32, #tpu.memory_space<vmem>>
        %dma_start3A_463 = arith.constant 0 : i32
        %dma_start3A_464 = arith.constant 0 : i32
        %dma_start3A_465 = tpu.memref_slice %arg2[%dma_start3A_463, %dma_start3A_464] : memref<50000x128xf32, #tpu.memory_space<hbm>> -> memref<50000x128xf32, #tpu.memory_space<hbm>>
        tpu.enqueue_indirect_dma source(%dma_start3A_465 : memref<50000x128xf32, #tpu.memory_space<hbm>>) target(%dma_start3A_459 : memref<128x128xf32, #tpu.memory_space<vmem>>) offsets(%dma_start3A_462 : memref<128xi32, #tpu.memory_space<vmem>>) semaphore(%arg16 : memref<!tpu.dma_semaphore, #tpu.memory_space<semaphore_mem>>)
      } else {
      }
      %dma_wait3A_138 = arith.constant 0 : i32
      %dma_wait3A_139 = arith.constant 0 : i32
      %dma_wait3A_140 = arith.constant 0 : i32
      %dma_wait3A_141 = arith.constant 0 : i32
      %dma_wait3A_142 = arith.constant 0 : i32
      %dma_wait3A_143 = tpu.memref_slice %arg8[%dma_wait3A_140, %dma_wait3A_141, %dma_wait3A_142] : memref<2x128x128xf32, #tpu.memory_space<vmem>> -> memref<1x128x128xf32, #tpu.memory_space<vmem>>
      %dma_wait3A_144 = tpu.memref_squeeze %dma_wait3A_143 : memref<1x128x128xf32, #tpu.memory_space<vmem>> -> memref<128x128xf32, #tpu.memory_space<vmem>>
      %dma_wait3A_145 = arith.constant 0 : i32
      %dma_wait3A_146 = tpu.memref_slice %arg6[%dma_wait3A_138, %dma_wait3A_139, %dma_wait3A_145] : memref<2x1x128xi32, #tpu.memory_space<vmem>> -> memref<1x1x128xi32, #tpu.memory_space<vmem>>
      %dma_wait3A_147 = tpu.memref_squeeze %dma_wait3A_146 : memref<1x1x128xi32, #tpu.memory_space<vmem>> -> memref<128xi32, #tpu.memory_space<vmem>>
      %dma_wait3A_148 = arith.constant 0 : i32
      %dma_wait3A_149 = arith.constant 0 : i32
      %dma_wait3A_150 = tpu.memref_slice %arg2[%dma_wait3A_148, %dma_wait3A_149] : memref<50000x128xf32, #tpu.memory_space<hbm>> -> memref<50000x128xf32, #tpu.memory_space<hbm>>
      tpu.wait_indirect_dma semaphore(%arg15 : memref<!tpu.dma_semaphore, #tpu.memory_space<semaphore_mem>>) src(%dma_wait3A_150 : memref<50000x128xf32, #tpu.memory_space<hbm>>) dst(%dma_wait3A_144 : memref<128x128xf32, #tpu.memory_space<vmem>>)
      %mul3A_151 = arith.constant 128 : i32
      %mul3A_152 = arith.muli %add3A_133, %mul3A_151 : i32
      %dma_wait3A_153 = arith.constant 0 : i32
      %dma_wait3A_154 = arith.constant 0 : i32
      %dma_wait3A_155 = tpu.memref_slice %arg7[%dma_wait3A_153, %dma_wait3A_154] : memref<2x128xf32, #tpu.memory_space<vmem>> -> memref<1x128xf32, #tpu.memory_space<vmem>>
      %dma_wait3A_156 = tpu.memref_squeeze %dma_wait3A_155 : memref<1x128xf32, #tpu.memory_space<vmem>> -> memref<128xf32, #tpu.memory_space<vmem>>
      %dma_wait3A_157 = tpu.memref_slice %arg4[%mul3A_152] : memref<401408xf32, #tpu.memory_space<hbm>> -> memref<128xf32, #tpu.memory_space<hbm>>
      %dma_wait3A_158 = arith.constant 0 : i32
      %dma_wait3A_159 = tpu.memref_slice %arg7[%dma_wait3A_153, %dma_wait3A_158] : memref<2x128xf32, #tpu.memory_space<vmem>> -> memref<1x128xf32, #tpu.memory_space<vmem>>
      %dma_wait3A_160 = tpu.memref_squeeze %dma_wait3A_159 : memref<1x128xf32, #tpu.memory_space<vmem>> -> memref<128xf32, #tpu.memory_space<vmem>>
      %dma_wait3A_161 = tpu.memref_slice %arg4[%mul3A_152] : memref<401408xf32, #tpu.memory_space<hbm>> -> memref<128xf32, #tpu.memory_space<hbm>>
      tpu.wait_dma2 semaphore(%arg11 : memref<!tpu.dma_semaphore, #tpu.memory_space<semaphore_mem>>) src(%dma_wait3A_161 : memref<128xf32, #tpu.memory_space<hbm>>) dst(%dma_wait3A_160 : memref<128xf32, #tpu.memory_space<vmem>>)
      %get3A = arith.constant 0 : i32
      %get3A_162 = arith.index_cast %get3A : i32 to index
      %get3A_163 = arith.constant 0 : index
      %get3A_164 = tpu.vector_load %arg7[%get3A_162, %get3A_163] {strides = array<i32>} : memref<2x128xf32, #tpu.memory_space<vmem>>, vector<16xf32>,
      %add3A_165 = arith.constant 0 : i32
      %add3A_166 = vector.broadcast %add3A_165 : i32 to vector<16xi32>
      %add3A_167 = arith.addi %add3A_166, %iota3A : vector<16xi32>
      %scatter3A = arith.constant 0 : i32
      %scatter3A_168 = arith.constant 0 : i32
      %scatter3A_169 = arith.constant 0 : i32
      %scatter3A_170 = tpu.memref_slice %arg8[%scatter3A, %scatter3A_168, %scatter3A_169] : memref<2x128x128xf32, #tpu.memory_space<vmem>> -> memref<1x128x128xf32, #tpu.memory_space<vmem>>
      %scatter3A_171 = tpu.memref_squeeze %scatter3A_170 : memref<1x128x128xf32, #tpu.memory_space<vmem>> -> memref<128x128xf32, #tpu.memory_space<vmem>>
      tpu.vector_store_idx %scatter3A_171[%add3A_167, %broadcast_in_dim3A_3], %get3A_164 : memref<128x128xf32, #tpu.memory_space<vmem>>[vector<16xi32>, vector<16xi32>], vector<16xf32>,
      %get3A_172 = arith.constant 0 : i32
      %get3A_173 = arith.index_cast %get3A_172 : i32 to index
      %get3A_174 = arith.constant 16 : index
      %get3A_175 = tpu.vector_load %arg7[%get3A_173, %get3A_174] {strides = array<i32>} : memref<2x128xf32, #tpu.memory_space<vmem>>, vector<16xf32>,
      %add3A_176 = arith.constant 16 : i32
      %add3A_177 = vector.broadcast %add3A_176 : i32 to vector<16xi32>
      %add3A_178 = arith.addi %add3A_177, %iota3A : vector<16xi32>
      %scatter3A_179 = arith.constant 0 : i32
      %scatter3A_180 = arith.constant 0 : i32
      %scatter3A_181 = arith.constant 0 : i32
      %scatter3A_182 = tpu.memref_slice %arg8[%scatter3A_179, %scatter3A_180, %scatter3A_181] : memref<2x128x128xf32, #tpu.memory_space<vmem>> -> memref<1x128x128xf32, #tpu.memory_space<vmem>>
      %scatter3A_183 = tpu.memref_squeeze %scatter3A_182 : memref<1x128x128xf32, #tpu.memory_space<vmem>> -> memref<128x128xf32, #tpu.memory_space<vmem>>
      tpu.vector_store_idx %scatter3A_183[%add3A_178, %broadcast_in_dim3A_3], %get3A_175 : memref<128x128xf32, #tpu.memory_space<vmem>>[vector<16xi32>, vector<16xi32>], vector<16xf32>,
      %get3A_184 = arith.constant 0 : i32
      %get3A_185 = arith.index_cast %get3A_184 : i32 to index
      %get3A_186 = arith.constant 32 : index
      %get3A_187 = tpu.vector_load %arg7[%get3A_185, %get3A_186] {strides = array<i32>} : memref<2x128xf32, #tpu.memory_space<vmem>>, vector<16xf32>,
      %add3A_188 = arith.constant 32 : i32
      %add3A_189 = vector.broadcast %add3A_188 : i32 to vector<16xi32>
      %add3A_190 = arith.addi %add3A_189, %iota3A : vector<16xi32>
      %scatter3A_191 = arith.constant 0 : i32
      %scatter3A_192 = arith.constant 0 : i32
      %scatter3A_193 = arith.constant 0 : i32
      %scatter3A_194 = tpu.memref_slice %arg8[%scatter3A_191, %scatter3A_192, %scatter3A_193] : memref<2x128x128xf32, #tpu.memory_space<vmem>> -> memref<1x128x128xf32, #tpu.memory_space<vmem>>
      %scatter3A_195 = tpu.memref_squeeze %scatter3A_194 : memref<1x128x128xf32, #tpu.memory_space<vmem>> -> memref<128x128xf32, #tpu.memory_space<vmem>>
      tpu.vector_store_idx %scatter3A_195[%add3A_190, %broadcast_in_dim3A_3], %get3A_187 : memref<128x128xf32, #tpu.memory_space<vmem>>[vector<16xi32>, vector<16xi32>], vector<16xf32>,
      %get3A_196 = arith.constant 0 : i32
      %get3A_197 = arith.index_cast %get3A_196 : i32 to index
      %get3A_198 = arith.constant 48 : index
      %get3A_199 = tpu.vector_load %arg7[%get3A_197, %get3A_198] {strides = array<i32>} : memref<2x128xf32, #tpu.memory_space<vmem>>, vector<16xf32>,
      %add3A_200 = arith.constant 48 : i32
      %add3A_201 = vector.broadcast %add3A_200 : i32 to vector<16xi32>
      %add3A_202 = arith.addi %add3A_201, %iota3A : vector<16xi32>
      %scatter3A_203 = arith.constant 0 : i32
      %scatter3A_204 = arith.constant 0 : i32
      %scatter3A_205 = arith.constant 0 : i32
      %scatter3A_206 = tpu.memref_slice %arg8[%scatter3A_203, %scatter3A_204, %scatter3A_205] : memref<2x128x128xf32, #tpu.memory_space<vmem>> -> memref<1x128x128xf32, #tpu.memory_space<vmem>>
      %scatter3A_207 = tpu.memref_squeeze %scatter3A_206 : memref<1x128x128xf32, #tpu.memory_space<vmem>> -> memref<128x128xf32, #tpu.memory_space<vmem>>
      tpu.vector_store_idx %scatter3A_207[%add3A_202, %broadcast_in_dim3A_3], %get3A_199 : memref<128x128xf32, #tpu.memory_space<vmem>>[vector<16xi32>, vector<16xi32>], vector<16xf32>,
      %get3A_208 = arith.constant 0 : i32
      %get3A_209 = arith.index_cast %get3A_208 : i32 to index
      %get3A_210 = arith.constant 64 : index
      %get3A_211 = tpu.vector_load %arg7[%get3A_209, %get3A_210] {strides = array<i32>} : memref<2x128xf32, #tpu.memory_space<vmem>>, vector<16xf32>,
      %add3A_212 = arith.constant 64 : i32
      %add3A_213 = vector.broadcast %add3A_212 : i32 to vector<16xi32>
      %add3A_214 = arith.addi %add3A_213, %iota3A : vector<16xi32>
      %scatter3A_215 = arith.constant 0 : i32
      %scatter3A_216 = arith.constant 0 : i32
      %scatter3A_217 = arith.constant 0 : i32
      %scatter3A_218 = tpu.memref_slice %arg8[%scatter3A_215, %scatter3A_216, %scatter3A_217] : memref<2x128x128xf32, #tpu.memory_space<vmem>> -> memref<1x128x128xf32, #tpu.memory_space<vmem>>
      %scatter3A_219 = tpu.memref_squeeze %scatter3A_218 : memref<1x128x128xf32, #tpu.memory_space<vmem>> -> memref<128x128xf32, #tpu.memory_space<vmem>>
      tpu.vector_store_idx %scatter3A_219[%add3A_214, %broadcast_in_dim3A_3], %get3A_211 : memref<128x128xf32, #tpu.memory_space<vmem>>[vector<16xi32>, vector<16xi32>], vector<16xf32>,
      %get3A_220 = arith.constant 0 : i32
      %get3A_221 = arith.index_cast %get3A_220 : i32 to index
      %get3A_222 = arith.constant 80 : index
      %get3A_223 = tpu.vector_load %arg7[%get3A_221, %get3A_222] {strides = array<i32>} : memref<2x128xf32, #tpu.memory_space<vmem>>, vector<16xf32>,
      %add3A_224 = arith.constant 80 : i32
      %add3A_225 = vector.broadcast %add3A_224 : i32 to vector<16xi32>
      %add3A_226 = arith.addi %add3A_225, %iota3A : vector<16xi32>
      %scatter3A_227 = arith.constant 0 : i32
      %scatter3A_228 = arith.constant 0 : i32
      %scatter3A_229 = arith.constant 0 : i32
      %scatter3A_230 = tpu.memref_slice %arg8[%scatter3A_227, %scatter3A_228, %scatter3A_229] : memref<2x128x128xf32, #tpu.memory_space<vmem>> -> memref<1x128x128xf32, #tpu.memory_space<vmem>>
      %scatter3A_231 = tpu.memref_squeeze %scatter3A_230 : memref<1x128x128xf32, #tpu.memory_space<vmem>> -> memref<128x128xf32, #tpu.memory_space<vmem>>
      tpu.vector_store_idx %scatter3A_231[%add3A_226, %broadcast_in_dim3A_3], %get3A_223 : memref<128x128xf32, #tpu.memory_space<vmem>>[vector<16xi32>, vector<16xi32>], vector<16xf32>,
      %get3A_232 = arith.constant 0 : i32
      %get3A_233 = arith.index_cast %get3A_232 : i32 to index
      %get3A_234 = arith.constant 96 : index
      %get3A_235 = tpu.vector_load %arg7[%get3A_233, %get3A_234] {strides = array<i32>} : memref<2x128xf32, #tpu.memory_space<vmem>>, vector<16xf32>,
      %add3A_236 = arith.constant 96 : i32
      %add3A_237 = vector.broadcast %add3A_236 : i32 to vector<16xi32>
      %add3A_238 = arith.addi %add3A_237, %iota3A : vector<16xi32>
      %scatter3A_239 = arith.constant 0 : i32
      %scatter3A_240 = arith.constant 0 : i32
      %scatter3A_241 = arith.constant 0 : i32
      %scatter3A_242 = tpu.memref_slice %arg8[%scatter3A_239, %scatter3A_240, %scatter3A_241] : memref<2x128x128xf32, #tpu.memory_space<vmem>> -> memref<1x128x128xf32, #tpu.memory_space<vmem>>
      %scatter3A_243 = tpu.memref_squeeze %scatter3A_242 : memref<1x128x128xf32, #tpu.memory_space<vmem>> -> memref<128x128xf32, #tpu.memory_space<vmem>>
      tpu.vector_store_idx %scatter3A_243[%add3A_238, %broadcast_in_dim3A_3], %get3A_235 : memref<128x128xf32, #tpu.memory_space<vmem>>[vector<16xi32>, vector<16xi32>], vector<16xf32>,
      %get3A_244 = arith.constant 0 : i32
      %get3A_245 = arith.index_cast %get3A_244 : i32 to index
      %get3A_246 = arith.constant 112 : index
      %get3A_247 = tpu.vector_load %arg7[%get3A_245, %get3A_246] {strides = array<i32>} : memref<2x128xf32, #tpu.memory_space<vmem>>, vector<16xf32>,
      %add3A_248 = arith.constant 112 : i32
      %add3A_249 = vector.broadcast %add3A_248 : i32 to vector<16xi32>
      %add3A_250 = arith.addi %add3A_249, %iota3A : vector<16xi32>
      %scatter3A_251 = arith.constant 0 : i32
      %scatter3A_252 = arith.constant 0 : i32
      %scatter3A_253 = arith.constant 0 : i32
      %scatter3A_254 = tpu.memref_slice %arg8[%scatter3A_251, %scatter3A_252, %scatter3A_253] : memref<2x128x128xf32, #tpu.memory_space<vmem>> -> memref<1x128x128xf32, #tpu.memory_space<vmem>>
      %scatter3A_255 = tpu.memref_squeeze %scatter3A_254 : memref<1x128x128xf32, #tpu.memory_space<vmem>> -> memref<128x128xf32, #tpu.memory_space<vmem>>
      tpu.vector_store_idx %scatter3A_255[%add3A_250, %broadcast_in_dim3A_3], %get3A_247 : memref<128x128xf32, #tpu.memory_space<vmem>>[vector<16xi32>, vector<16xi32>], vector<16xf32>,
      %mul3A_256 = arith.constant 128 : i32
      %mul3A_257 = arith.muli %add3A_133, %mul3A_256 : i32
      %dma_start3A_258 = arith.constant 0 : i32
      %dma_start3A_259 = arith.constant 0 : i32
      %dma_start3A_260 = arith.constant 0 : i32
      %dma_start3A_261 = tpu.memref_slice %arg8[%dma_start3A_258, %dma_start3A_259, %dma_start3A_260] : memref<2x128x128xf32, #tpu.memory_space<vmem>> -> memref<1x128x128xf32, #tpu.memory_space<vmem>>
      %dma_start3A_262 = tpu.memref_squeeze %dma_start3A_261 : memref<1x128x128xf32, #tpu.memory_space<vmem>> -> memref<128x128xf32, #tpu.memory_space<vmem>>
      %dma_start3A_263 = arith.constant 0 : i32
      %dma_start3A_264 = tpu.memref_slice %arg5[%mul3A_257, %dma_start3A_263] : memref<401408x128xf32, #tpu.memory_space<hbm>> -> memref<128x128xf32, #tpu.memory_space<hbm>>
      %dma_start3A_265 = arith.constant 0 : i32
      %dma_start3A_266 = tpu.memref_slice %arg5[%mul3A_257, %dma_start3A_265] : memref<401408x128xf32, #tpu.memory_space<hbm>> -> memref<128x128xf32, #tpu.memory_space<hbm>>
      %dma_start3A_267 = arith.constant 0 : i32
      %dma_start3A_268 = arith.constant 0 : i32
      %dma_start3A_269 = tpu.memref_slice %arg8[%dma_start3A_258, %dma_start3A_267, %dma_start3A_268] : memref<2x128x128xf32, #tpu.memory_space<vmem>> -> memref<1x128x128xf32, #tpu.memory_space<vmem>>
      %dma_start3A_270 = tpu.memref_squeeze %dma_start3A_269 : memref<1x128x128xf32, #tpu.memory_space<vmem>> -> memref<128x128xf32, #tpu.memory_space<vmem>>
      tpu.enqueue_dma source(%dma_start3A_270 : memref<128x128xf32, #tpu.memory_space<vmem>>) target(%dma_start3A_266 : memref<128x128xf32, #tpu.memory_space<hbm>>) target_semaphore(%arg13 : memref<!tpu.dma_semaphore, #tpu.memory_space<semaphore_mem>>)
      %add3A_271 = arith.constant 2 : i32
      %add3A_272 = arith.addi %add3A_132, %add3A_271 : i32
      %lt3A_273 = arith.constant 98 : i32
      %lt3A_274 = arith.cmpi slt, %add3A_272, %lt3A_273 : i32
      %convert_element_type3A_275 = arith.extui %lt3A_274 : i1 to i32
      %cond3A_276 = arith.constant 0 : i32
      %cond3A_277 = arith.cmpi ne, %convert_element_type3A_275, %cond3A_276 : i32
      scf.if %cond3A_277 {
        %add3A_432 = arith.constant 2 : i32
        %add3A_433 = arith.addi %add3A_133, %add3A_432 : i32
        %mul3A_434 = arith.constant 1 : i32
        %mul3A_435 = arith.muli %add3A_433, %mul3A_434 : i32
        %dma_start3A_436 = arith.constant 0 : i32
        %dma_start3A_437 = arith.constant 0 : i32
        %dma_start3A_438 = arith.constant 0 : i32
        %dma_start3A_439 = tpu.memref_slice %arg6[%dma_start3A_436, %dma_start3A_437, %dma_start3A_438] : memref<2x1x128xi32, #tpu.memory_space<vmem>> -> memref<1x1x128xi32, #tpu.memory_space<vmem>>
        %dma_start3A_440 = tpu.memref_squeeze %dma_start3A_439 : memref<1x1x128xi32, #tpu.memory_space<vmem>> -> memref<1x128xi32, #tpu.memory_space<vmem>>
        %dma_start3A_441 = arith.constant 0 : i32
        %dma_start3A_442 = tpu.memref_slice %arg3[%mul3A_435, %dma_start3A_441] : memref<3136x128xi32, #tpu.memory_space<hbm>> -> memref<1x128xi32, #tpu.memory_space<hbm>>
        %dma_start3A_443 = arith.constant 0 : i32
        %dma_start3A_444 = arith.constant 0 : i32
        %dma_start3A_445 = tpu.memref_slice %arg6[%dma_start3A_436, %dma_start3A_443, %dma_start3A_444] : memref<2x1x128xi32, #tpu.memory_space<vmem>> -> memref<1x1x128xi32, #tpu.memory_space<vmem>>
        %dma_start3A_446 = tpu.memref_squeeze %dma_start3A_445 : memref<1x1x128xi32, #tpu.memory_space<vmem>> -> memref<1x128xi32, #tpu.memory_space<vmem>>
        %dma_start3A_447 = arith.constant 0 : i32
        %dma_start3A_448 = tpu.memref_slice %arg3[%mul3A_435, %dma_start3A_447] : memref<3136x128xi32, #tpu.memory_space<hbm>> -> memref<1x128xi32, #tpu.memory_space<hbm>>
        tpu.enqueue_dma source(%dma_start3A_448 : memref<1x128xi32, #tpu.memory_space<hbm>>) target(%dma_start3A_446 : memref<1x128xi32, #tpu.memory_space<vmem>>) target_semaphore(%arg9 : memref<!tpu.dma_semaphore, #tpu.memory_space<semaphore_mem>>)
        %add3A_449 = arith.constant 2 : i32
        %add3A_450 = arith.addi %add3A_133, %add3A_449 : i32
        %mul3A_451 = arith.constant 128 : i32
        %mul3A_452 = arith.muli %add3A_450, %mul3A_451 : i32
        %dma_start3A_453 = arith.constant 0 : i32
        %dma_start3A_454 = arith.constant 0 : i32
        %dma_start3A_455 = tpu.memref_slice %arg7[%dma_start3A_453, %dma_start3A_454] : memref<2x128xf32, #tpu.memory_space<vmem>> -> memref<1x128xf32, #tpu.memory_space<vmem>>
        %dma_start3A_456 = tpu.memref_squeeze %dma_start3A_455 : memref<1x128xf32, #tpu.memory_space<vmem>> -> memref<128xf32, #tpu.memory_space<vmem>>
        %dma_start3A_457 = tpu.memref_slice %arg4[%mul3A_452] : memref<401408xf32, #tpu.memory_space<hbm>> -> memref<128xf32, #tpu.memory_space<hbm>>
        %dma_start3A_458 = arith.constant 0 : i32
        %dma_start3A_459 = tpu.memref_slice %arg7[%dma_start3A_453, %dma_start3A_458] : memref<2x128xf32, #tpu.memory_space<vmem>> -> memref<1x128xf32, #tpu.memory_space<vmem>>
        %dma_start3A_460 = tpu.memref_squeeze %dma_start3A_459 : memref<1x128xf32, #tpu.memory_space<vmem>> -> memref<128xf32, #tpu.memory_space<vmem>>
        %dma_start3A_461 = tpu.memref_slice %arg4[%mul3A_452] : memref<401408xf32, #tpu.memory_space<hbm>> -> memref<128xf32, #tpu.memory_space<hbm>>
        tpu.enqueue_dma source(%dma_start3A_461 : memref<128xf32, #tpu.memory_space<hbm>>) target(%dma_start3A_460 : memref<128xf32, #tpu.memory_space<vmem>>) target_semaphore(%arg11 : memref<!tpu.dma_semaphore, #tpu.memory_space<semaphore_mem>>)
      } else {
      }
      %mul3A_278 = arith.constant 2 : i32
      %mul3A_279 = arith.muli %scan3A_128, %mul3A_278 : i32
      %add3A_280 = arith.constant 1 : i32
      %add3A_281 = arith.addi %mul3A_279, %add3A_280 : i32
      %add3A_282 = arith.addi %mul3A_2, %add3A_281 : i32
      %add3A_283 = arith.constant 1 : i32
      %add3A_284 = arith.addi %add3A_281, %add3A_283 : i32
      %lt3A_285 = arith.constant 98 : i32
      %lt3A_286 = arith.cmpi slt, %add3A_284, %lt3A_285 : i32
      %convert_element_type3A_287 = arith.extui %lt3A_286 : i1 to i32
      %cond3A_288 = arith.constant 0 : i32
      %cond3A_289 = arith.cmpi ne, %convert_element_type3A_287, %cond3A_288 : i32
      scf.if %cond3A_289 {
        %add3A_432 = arith.constant 1 : i32
        %add3A_433 = arith.addi %add3A_282, %add3A_432 : i32
        %mul3A_434 = arith.constant 1 : i32
        %mul3A_435 = arith.muli %add3A_433, %mul3A_434 : i32
        %dma_wait3A_436 = arith.constant 0 : i32
        %dma_wait3A_437 = arith.constant 0 : i32
        %dma_wait3A_438 = arith.constant 0 : i32
        %dma_wait3A_439 = tpu.memref_slice %arg6[%dma_wait3A_436, %dma_wait3A_437, %dma_wait3A_438] : memref<2x1x128xi32, #tpu.memory_space<vmem>> -> memref<1x1x128xi32, #tpu.memory_space<vmem>>
        %dma_wait3A_440 = tpu.memref_squeeze %dma_wait3A_439 : memref<1x1x128xi32, #tpu.memory_space<vmem>> -> memref<1x128xi32, #tpu.memory_space<vmem>>
        %dma_wait3A_441 = arith.constant 0 : i32
        %dma_wait3A_442 = tpu.memref_slice %arg3[%mul3A_435, %dma_wait3A_441] : memref<3136x128xi32, #tpu.memory_space<hbm>> -> memref<1x128xi32, #tpu.memory_space<hbm>>
        %dma_wait3A_443 = arith.constant 0 : i32
        %dma_wait3A_444 = arith.constant 0 : i32
        %dma_wait3A_445 = tpu.memref_slice %arg6[%dma_wait3A_436, %dma_wait3A_443, %dma_wait3A_444] : memref<2x1x128xi32, #tpu.memory_space<vmem>> -> memref<1x1x128xi32, #tpu.memory_space<vmem>>
        %dma_wait3A_446 = tpu.memref_squeeze %dma_wait3A_445 : memref<1x1x128xi32, #tpu.memory_space<vmem>> -> memref<1x128xi32, #tpu.memory_space<vmem>>
        %dma_wait3A_447 = arith.constant 0 : i32
        %dma_wait3A_448 = tpu.memref_slice %arg3[%mul3A_435, %dma_wait3A_447] : memref<3136x128xi32, #tpu.memory_space<hbm>> -> memref<1x128xi32, #tpu.memory_space<hbm>>
        tpu.wait_dma2 semaphore(%arg9 : memref<!tpu.dma_semaphore, #tpu.memory_space<semaphore_mem>>) src(%dma_wait3A_448 : memref<1x128xi32, #tpu.memory_space<hbm>>) dst(%dma_wait3A_446 : memref<1x128xi32, #tpu.memory_space<vmem>>)
        %ge3A = arith.constant 1 : i32
        %ge3A_449 = arith.cmpi sge, %add3A_281, %ge3A : i32
        %convert_element_type3A_450 = arith.extui %ge3A_449 : i1 to i32
        %cond3A_451 = arith.constant 0 : i32
        %cond3A_452 = arith.cmpi ne, %convert_element_type3A_450, %cond3A_451 : i32
        scf.if %cond3A_452 {
          %sub3A_466 = arith.constant 1 : i32
          %sub3A_467 = arith.subi %add3A_282, %sub3A_466 : i32
          %mul3A_468 = arith.constant 128 : i32
          %mul3A_469 = arith.muli %sub3A_467, %mul3A_468 : i32
          %dma_wait3A_470 = arith.constant 0 : i32
          %dma_wait3A_471 = arith.constant 0 : i32
          %dma_wait3A_472 = arith.constant 0 : i32
          %dma_wait3A_473 = tpu.memref_slice %arg8[%dma_wait3A_470, %dma_wait3A_471, %dma_wait3A_472] : memref<2x128x128xf32, #tpu.memory_space<vmem>> -> memref<1x128x128xf32, #tpu.memory_space<vmem>>
          %dma_wait3A_474 = tpu.memref_squeeze %dma_wait3A_473 : memref<1x128x128xf32, #tpu.memory_space<vmem>> -> memref<128x128xf32, #tpu.memory_space<vmem>>
          %dma_wait3A_475 = arith.constant 0 : i32
          %dma_wait3A_476 = tpu.memref_slice %arg5[%mul3A_469, %dma_wait3A_475] : memref<401408x128xf32, #tpu.memory_space<hbm>> -> memref<128x128xf32, #tpu.memory_space<hbm>>
          %dma_wait3A_477 = arith.constant 0 : i32
          %dma_wait3A_478 = tpu.memref_slice %arg5[%mul3A_469, %dma_wait3A_477] : memref<401408x128xf32, #tpu.memory_space<hbm>> -> memref<128x128xf32, #tpu.memory_space<hbm>>
          %dma_wait3A_479 = arith.constant 0 : i32
          %dma_wait3A_480 = arith.constant 0 : i32
          %dma_wait3A_481 = tpu.memref_slice %arg8[%dma_wait3A_470, %dma_wait3A_479, %dma_wait3A_480] : memref<2x128x128xf32, #tpu.memory_space<vmem>> -> memref<1x128x128xf32, #tpu.memory_space<vmem>>
          %dma_wait3A_482 = tpu.memref_squeeze %dma_wait3A_481 : memref<1x128x128xf32, #tpu.memory_space<vmem>> -> memref<128x128xf32, #tpu.memory_space<vmem>>
          tpu.wait_dma2 semaphore(%arg13 : memref<!tpu.dma_semaphore, #tpu.memory_space<semaphore_mem>>) src(%dma_wait3A_482 : memref<128x128xf32, #tpu.memory_space<vmem>>) dst(%dma_wait3A_478 : memref<128x128xf32, #tpu.memory_space<hbm>>)
        } else {
        }
        %dma_start3A_453 = arith.constant 0 : i32
        %dma_start3A_454 = arith.constant 0 : i32
        %dma_start3A_455 = arith.constant 0 : i32
        %dma_start3A_456 = arith.constant 0 : i32
        %dma_start3A_457 = arith.constant 0 : i32
        %dma_start3A_458 = tpu.memref_slice %arg8[%dma_start3A_455, %dma_start3A_456, %dma_start3A_457] : memref<2x128x128xf32, #tpu.memory_space<vmem>> -> memref<1x128x128xf32, #tpu.memory_space<vmem>>
        %dma_start3A_459 = tpu.memref_squeeze %dma_start3A_458 : memref<1x128x128xf32, #tpu.memory_space<vmem>> -> memref<128x128xf32, #tpu.memory_space<vmem>>
        %dma_start3A_460 = arith.constant 0 : i32
        %dma_start3A_461 = tpu.memref_slice %arg6[%dma_start3A_453, %dma_start3A_454, %dma_start3A_460] : memref<2x1x128xi32, #tpu.memory_space<vmem>> -> memref<1x1x128xi32, #tpu.memory_space<vmem>>
        %dma_start3A_462 = tpu.memref_squeeze %dma_start3A_461 : memref<1x1x128xi32, #tpu.memory_space<vmem>> -> memref<128xi32, #tpu.memory_space<vmem>>
        %dma_start3A_463 = arith.constant 0 : i32
        %dma_start3A_464 = arith.constant 0 : i32
        %dma_start3A_465 = tpu.memref_slice %arg2[%dma_start3A_463, %dma_start3A_464] : memref<50000x128xf32, #tpu.memory_space<hbm>> -> memref<50000x128xf32, #tpu.memory_space<hbm>>
        tpu.enqueue_indirect_dma source(%dma_start3A_465 : memref<50000x128xf32, #tpu.memory_space<hbm>>) target(%dma_start3A_459 : memref<128x128xf32, #tpu.memory_space<vmem>>) offsets(%dma_start3A_462 : memref<128xi32, #tpu.memory_space<vmem>>) semaphore(%arg15 : memref<!tpu.dma_semaphore, #tpu.memory_space<semaphore_mem>>)
      } else {
      }
      %dma_wait3A_290 = arith.constant 1 : i32
      %dma_wait3A_291 = arith.constant 0 : i32
      %dma_wait3A_292 = arith.constant 1 : i32
      %dma_wait3A_293 = arith.constant 0 : i32
      %dma_wait3A_294 = arith.constant 0 : i32
      %dma_wait3A_295 = tpu.memref_slice %arg8[%dma_wait3A_292, %dma_wait3A_293, %dma_wait3A_294] : memref<2x128x128xf32, #tpu.memory_space<vmem>> -> memref<1x128x128xf32, #tpu.memory_space<vmem>>
      %dma_wait3A_296 = tpu.memref_squeeze %dma_wait3A_295 : memref<1x128x128xf32, #tpu.memory_space<vmem>> -> memref<128x128xf32, #tpu.memory_space<vmem>>
      %dma_wait3A_297 = arith.constant 0 : i32
      %dma_wait3A_298 = tpu.memref_slice %arg6[%dma_wait3A_290, %dma_wait3A_291, %dma_wait3A_297] : memref<2x1x128xi32, #tpu.memory_space<vmem>> -> memref<1x1x128xi32, #tpu.memory_space<vmem>>
      %dma_wait3A_299 = tpu.memref_squeeze %dma_wait3A_298 : memref<1x1x128xi32, #tpu.memory_space<vmem>> -> memref<128xi32, #tpu.memory_space<vmem>>
      %dma_wait3A_300 = arith.constant 0 : i32
      %dma_wait3A_301 = arith.constant 0 : i32
      %dma_wait3A_302 = tpu.memref_slice %arg2[%dma_wait3A_300, %dma_wait3A_301] : memref<50000x128xf32, #tpu.memory_space<hbm>> -> memref<50000x128xf32, #tpu.memory_space<hbm>>
      tpu.wait_indirect_dma semaphore(%arg16 : memref<!tpu.dma_semaphore, #tpu.memory_space<semaphore_mem>>) src(%dma_wait3A_302 : memref<50000x128xf32, #tpu.memory_space<hbm>>) dst(%dma_wait3A_296 : memref<128x128xf32, #tpu.memory_space<vmem>>)
      %mul3A_303 = arith.constant 128 : i32
      %mul3A_304 = arith.muli %add3A_282, %mul3A_303 : i32
      %dma_wait3A_305 = arith.constant 1 : i32
      %dma_wait3A_306 = arith.constant 0 : i32
      %dma_wait3A_307 = tpu.memref_slice %arg7[%dma_wait3A_305, %dma_wait3A_306] : memref<2x128xf32, #tpu.memory_space<vmem>> -> memref<1x128xf32, #tpu.memory_space<vmem>>
      %dma_wait3A_308 = tpu.memref_squeeze %dma_wait3A_307 : memref<1x128xf32, #tpu.memory_space<vmem>> -> memref<128xf32, #tpu.memory_space<vmem>>
      %dma_wait3A_309 = tpu.memref_slice %arg4[%mul3A_304] : memref<401408xf32, #tpu.memory_space<hbm>> -> memref<128xf32, #tpu.memory_space<hbm>>
      %dma_wait3A_310 = arith.constant 0 : i32
      %dma_wait3A_311 = tpu.memref_slice %arg7[%dma_wait3A_305, %dma_wait3A_310] : memref<2x128xf32, #tpu.memory_space<vmem>> -> memref<1x128xf32, #tpu.memory_space<vmem>>
      %dma_wait3A_312 = tpu.memref_squeeze %dma_wait3A_311 : memref<1x128xf32, #tpu.memory_space<vmem>> -> memref<128xf32, #tpu.memory_space<vmem>>
      %dma_wait3A_313 = tpu.memref_slice %arg4[%mul3A_304] : memref<401408xf32, #tpu.memory_space<hbm>> -> memref<128xf32, #tpu.memory_space<hbm>>
      tpu.wait_dma2 semaphore(%arg12 : memref<!tpu.dma_semaphore, #tpu.memory_space<semaphore_mem>>) src(%dma_wait3A_313 : memref<128xf32, #tpu.memory_space<hbm>>) dst(%dma_wait3A_312 : memref<128xf32, #tpu.memory_space<vmem>>)
      %get3A_314 = arith.constant 1 : i32
      %get3A_315 = arith.index_cast %get3A_314 : i32 to index
      %get3A_316 = arith.constant 0 : index
      %get3A_317 = tpu.vector_load %arg7[%get3A_315, %get3A_316] {strides = array<i32>} : memref<2x128xf32, #tpu.memory_space<vmem>>, vector<16xf32>,
      %add3A_318 = arith.constant 0 : i32
      %add3A_319 = vector.broadcast %add3A_318 : i32 to vector<16xi32>
      %add3A_320 = arith.addi %add3A_319, %iota3A : vector<16xi32>
      %scatter3A_321 = arith.constant 1 : i32
      %scatter3A_322 = arith.constant 0 : i32
      %scatter3A_323 = arith.constant 0 : i32
      %scatter3A_324 = tpu.memref_slice %arg8[%scatter3A_321, %scatter3A_322, %scatter3A_323] : memref<2x128x128xf32, #tpu.memory_space<vmem>> -> memref<1x128x128xf32, #tpu.memory_space<vmem>>
      %scatter3A_325 = tpu.memref_squeeze %scatter3A_324 : memref<1x128x128xf32, #tpu.memory_space<vmem>> -> memref<128x128xf32, #tpu.memory_space<vmem>>
      tpu.vector_store_idx %scatter3A_325[%add3A_320, %broadcast_in_dim3A_3], %get3A_317 : memref<128x128xf32, #tpu.memory_space<vmem>>[vector<16xi32>, vector<16xi32>], vector<16xf32>,
      %get3A_326 = arith.constant 1 : i32
      %get3A_327 = arith.index_cast %get3A_326 : i32 to index
      %get3A_328 = arith.constant 16 : index
      %get3A_329 = tpu.vector_load %arg7[%get3A_327, %get3A_328] {strides = array<i32>} : memref<2x128xf32, #tpu.memory_space<vmem>>, vector<16xf32>,
      %add3A_330 = arith.constant 16 : i32
      %add3A_331 = vector.broadcast %add3A_330 : i32 to vector<16xi32>
      %add3A_332 = arith.addi %add3A_331, %iota3A : vector<16xi32>
      %scatter3A_333 = arith.constant 1 : i32
      %scatter3A_334 = arith.constant 0 : i32
      %scatter3A_335 = arith.constant 0 : i32
      %scatter3A_336 = tpu.memref_slice %arg8[%scatter3A_333, %scatter3A_334, %scatter3A_335] : memref<2x128x128xf32, #tpu.memory_space<vmem>> -> memref<1x128x128xf32, #tpu.memory_space<vmem>>
      %scatter3A_337 = tpu.memref_squeeze %scatter3A_336 : memref<1x128x128xf32, #tpu.memory_space<vmem>> -> memref<128x128xf32, #tpu.memory_space<vmem>>
      tpu.vector_store_idx %scatter3A_337[%add3A_332, %broadcast_in_dim3A_3], %get3A_329 : memref<128x128xf32, #tpu.memory_space<vmem>>[vector<16xi32>, vector<16xi32>], vector<16xf32>,
      %get3A_338 = arith.constant 1 : i32
      %get3A_339 = arith.index_cast %get3A_338 : i32 to index
      %get3A_340 = arith.constant 32 : index
      %get3A_341 = tpu.vector_load %arg7[%get3A_339, %get3A_340] {strides = array<i32>} : memref<2x128xf32, #tpu.memory_space<vmem>>, vector<16xf32>,
      %add3A_342 = arith.constant 32 : i32
      %add3A_343 = vector.broadcast %add3A_342 : i32 to vector<16xi32>
      %add3A_344 = arith.addi %add3A_343, %iota3A : vector<16xi32>
      %scatter3A_345 = arith.constant 1 : i32
      %scatter3A_346 = arith.constant 0 : i32
      %scatter3A_347 = arith.constant 0 : i32
      %scatter3A_348 = tpu.memref_slice %arg8[%scatter3A_345, %scatter3A_346, %scatter3A_347] : memref<2x128x128xf32, #tpu.memory_space<vmem>> -> memref<1x128x128xf32, #tpu.memory_space<vmem>>
      %scatter3A_349 = tpu.memref_squeeze %scatter3A_348 : memref<1x128x128xf32, #tpu.memory_space<vmem>> -> memref<128x128xf32, #tpu.memory_space<vmem>>
      tpu.vector_store_idx %scatter3A_349[%add3A_344, %broadcast_in_dim3A_3], %get3A_341 : memref<128x128xf32, #tpu.memory_space<vmem>>[vector<16xi32>, vector<16xi32>], vector<16xf32>,
      %get3A_350 = arith.constant 1 : i32
      %get3A_351 = arith.index_cast %get3A_350 : i32 to index
      %get3A_352 = arith.constant 48 : index
      %get3A_353 = tpu.vector_load %arg7[%get3A_351, %get3A_352] {strides = array<i32>} : memref<2x128xf32, #tpu.memory_space<vmem>>, vector<16xf32>,
      %add3A_354 = arith.constant 48 : i32
      %add3A_355 = vector.broadcast %add3A_354 : i32 to vector<16xi32>
      %add3A_356 = arith.addi %add3A_355, %iota3A : vector<16xi32>
      %scatter3A_357 = arith.constant 1 : i32
      %scatter3A_358 = arith.constant 0 : i32
      %scatter3A_359 = arith.constant 0 : i32
      %scatter3A_360 = tpu.memref_slice %arg8[%scatter3A_357, %scatter3A_358, %scatter3A_359] : memref<2x128x128xf32, #tpu.memory_space<vmem>> -> memref<1x128x128xf32, #tpu.memory_space<vmem>>
      %scatter3A_361 = tpu.memref_squeeze %scatter3A_360 : memref<1x128x128xf32, #tpu.memory_space<vmem>> -> memref<128x128xf32, #tpu.memory_space<vmem>>
      tpu.vector_store_idx %scatter3A_361[%add3A_356, %broadcast_in_dim3A_3], %get3A_353 : memref<128x128xf32, #tpu.memory_space<vmem>>[vector<16xi32>, vector<16xi32>], vector<16xf32>,
      %get3A_362 = arith.constant 1 : i32
      %get3A_363 = arith.index_cast %get3A_362 : i32 to index
      %get3A_364 = arith.constant 64 : index
      %get3A_365 = tpu.vector_load %arg7[%get3A_363, %get3A_364] {strides = array<i32>} : memref<2x128xf32, #tpu.memory_space<vmem>>, vector<16xf32>,
      %add3A_366 = arith.constant 64 : i32
      %add3A_367 = vector.broadcast %add3A_366 : i32 to vector<16xi32>
      %add3A_368 = arith.addi %add3A_367, %iota3A : vector<16xi32>
      %scatter3A_369 = arith.constant 1 : i32
      %scatter3A_370 = arith.constant 0 : i32
      %scatter3A_371 = arith.constant 0 : i32
      %scatter3A_372 = tpu.memref_slice %arg8[%scatter3A_369, %scatter3A_370, %scatter3A_371] : memref<2x128x128xf32, #tpu.memory_space<vmem>> -> memref<1x128x128xf32, #tpu.memory_space<vmem>>
      %scatter3A_373 = tpu.memref_squeeze %scatter3A_372 : memref<1x128x128xf32, #tpu.memory_space<vmem>> -> memref<128x128xf32, #tpu.memory_space<vmem>>
      tpu.vector_store_idx %scatter3A_373[%add3A_368, %broadcast_in_dim3A_3], %get3A_365 : memref<128x128xf32, #tpu.memory_space<vmem>>[vector<16xi32>, vector<16xi32>], vector<16xf32>,
      %get3A_374 = arith.constant 1 : i32
      %get3A_375 = arith.index_cast %get3A_374 : i32 to index
      %get3A_376 = arith.constant 80 : index
      %get3A_377 = tpu.vector_load %arg7[%get3A_375, %get3A_376] {strides = array<i32>} : memref<2x128xf32, #tpu.memory_space<vmem>>, vector<16xf32>,
      %add3A_378 = arith.constant 80 : i32
      %add3A_379 = vector.broadcast %add3A_378 : i32 to vector<16xi32>
      %add3A_380 = arith.addi %add3A_379, %iota3A : vector<16xi32>
      %scatter3A_381 = arith.constant 1 : i32
      %scatter3A_382 = arith.constant 0 : i32
      %scatter3A_383 = arith.constant 0 : i32
      %scatter3A_384 = tpu.memref_slice %arg8[%scatter3A_381, %scatter3A_382, %scatter3A_383] : memref<2x128x128xf32, #tpu.memory_space<vmem>> -> memref<1x128x128xf32, #tpu.memory_space<vmem>>
      %scatter3A_385 = tpu.memref_squeeze %scatter3A_384 : memref<1x128x128xf32, #tpu.memory_space<vmem>> -> memref<128x128xf32, #tpu.memory_space<vmem>>
      tpu.vector_store_idx %scatter3A_385[%add3A_380, %broadcast_in_dim3A_3], %get3A_377 : memref<128x128xf32, #tpu.memory_space<vmem>>[vector<16xi32>, vector<16xi32>], vector<16xf32>,
      %get3A_386 = arith.constant 1 : i32
      %get3A_387 = arith.index_cast %get3A_386 : i32 to index
      %get3A_388 = arith.constant 96 : index
      %get3A_389 = tpu.vector_load %arg7[%get3A_387, %get3A_388] {strides = array<i32>} : memref<2x128xf32, #tpu.memory_space<vmem>>, vector<16xf32>,
      %add3A_390 = arith.constant 96 : i32
      %add3A_391 = vector.broadcast %add3A_390 : i32 to vector<16xi32>
      %add3A_392 = arith.addi %add3A_391, %iota3A : vector<16xi32>
      %scatter3A_393 = arith.constant 1 : i32
      %scatter3A_394 = arith.constant 0 : i32
      %scatter3A_395 = arith.constant 0 : i32
      %scatter3A_396 = tpu.memref_slice %arg8[%scatter3A_393, %scatter3A_394, %scatter3A_395] : memref<2x128x128xf32, #tpu.memory_space<vmem>> -> memref<1x128x128xf32, #tpu.memory_space<vmem>>
      %scatter3A_397 = tpu.memref_squeeze %scatter3A_396 : memref<1x128x128xf32, #tpu.memory_space<vmem>> -> memref<128x128xf32, #tpu.memory_space<vmem>>
      tpu.vector_store_idx %scatter3A_397[%add3A_392, %broadcast_in_dim3A_3], %get3A_389 : memref<128x128xf32, #tpu.memory_space<vmem>>[vector<16xi32>, vector<16xi32>], vector<16xf32>,
      %get3A_398 = arith.constant 1 : i32
      %get3A_399 = arith.index_cast %get3A_398 : i32 to index
      %get3A_400 = arith.constant 112 : index
      %get3A_401 = tpu.vector_load %arg7[%get3A_399, %get3A_400] {strides = array<i32>} : memref<2x128xf32, #tpu.memory_space<vmem>>, vector<16xf32>,
      %add3A_402 = arith.constant 112 : i32
      %add3A_403 = vector.broadcast %add3A_402 : i32 to vector<16xi32>
      %add3A_404 = arith.addi %add3A_403, %iota3A : vector<16xi32>
      %scatter3A_405 = arith.constant 1 : i32
      %scatter3A_406 = arith.constant 0 : i32
      %scatter3A_407 = arith.constant 0 : i32
      %scatter3A_408 = tpu.memref_slice %arg8[%scatter3A_405, %scatter3A_406, %scatter3A_407] : memref<2x128x128xf32, #tpu.memory_space<vmem>> -> memref<1x128x128xf32, #tpu.memory_space<vmem>>
      %scatter3A_409 = tpu.memref_squeeze %scatter3A_408 : memref<1x128x128xf32, #tpu.memory_space<vmem>> -> memref<128x128xf32, #tpu.memory_space<vmem>>
      tpu.vector_store_idx %scatter3A_409[%add3A_404, %broadcast_in_dim3A_3], %get3A_401 : memref<128x128xf32, #tpu.memory_space<vmem>>[vector<16xi32>, vector<16xi32>], vector<16xf32>,
      %mul3A_410 = arith.constant 128 : i32
      %mul3A_411 = arith.muli %add3A_282, %mul3A_410 : i32
      %dma_start3A_412 = arith.constant 1 : i32
      %dma_start3A_413 = arith.constant 0 : i32
      %dma_start3A_414 = arith.constant 0 : i32
      %dma_start3A_415 = tpu.memref_slice %arg8[%dma_start3A_412, %dma_start3A_413, %dma_start3A_414] : memref<2x128x128xf32, #tpu.memory_space<vmem>> -> memref<1x128x128xf32, #tpu.memory_space<vmem>>
      %dma_start3A_416 = tpu.memref_squeeze %dma_start3A_415 : memref<1x128x128xf32, #tpu.memory_space<vmem>> -> memref<128x128xf32, #tpu.memory_space<vmem>>
      %dma_start3A_417 = arith.constant 0 : i32
      %dma_start3A_418 = tpu.memref_slice %arg5[%mul3A_411, %dma_start3A_417] : memref<401408x128xf32, #tpu.memory_space<hbm>> -> memref<128x128xf32, #tpu.memory_space<hbm>>
      %dma_start3A_419 = arith.constant 0 : i32
      %dma_start3A_420 = tpu.memref_slice %arg5[%mul3A_411, %dma_start3A_419] : memref<401408x128xf32, #tpu.memory_space<hbm>> -> memref<128x128xf32, #tpu.memory_space<hbm>>
      %dma_start3A_421 = arith.constant 0 : i32
      %dma_start3A_422 = arith.constant 0 : i32
      %dma_start3A_423 = tpu.memref_slice %arg8[%dma_start3A_412, %dma_start3A_421, %dma_start3A_422] : memref<2x128x128xf32, #tpu.memory_space<vmem>> -> memref<1x128x128xf32, #tpu.memory_space<vmem>>
      %dma_start3A_424 = tpu.memref_squeeze %dma_start3A_423 : memref<1x128x128xf32, #tpu.memory_space<vmem>> -> memref<128x128xf32, #tpu.memory_space<vmem>>
      tpu.enqueue_dma source(%dma_start3A_424 : memref<128x128xf32, #tpu.memory_space<vmem>>) target(%dma_start3A_420 : memref<128x128xf32, #tpu.memory_space<hbm>>) target_semaphore(%arg14 : memref<!tpu.dma_semaphore, #tpu.memory_space<semaphore_mem>>)
      %add3A_425 = arith.constant 2 : i32
      %add3A_426 = arith.addi %add3A_281, %add3A_425 : i32
      %lt3A_427 = arith.constant 98 : i32
      %lt3A_428 = arith.cmpi slt, %add3A_426, %lt3A_427 : i32
      %convert_element_type3A_429 = arith.extui %lt3A_428 : i1 to i32
      %cond3A_430 = arith.constant 0 : i32
      %cond3A_431 = arith.cmpi ne, %convert_element_type3A_429, %cond3A_430 : i32
      scf.if %cond3A_431 {
        %add3A_432 = arith.constant 2 : i32
        %add3A_433 = arith.addi %add3A_282, %add3A_432 : i32
        %mul3A_434 = arith.constant 1 : i32
        %mul3A_435 = arith.muli %add3A_433, %mul3A_434 : i32
        %dma_start3A_436 = arith.constant 1 : i32
        %dma_start3A_437 = arith.constant 0 : i32
        %dma_start3A_438 = arith.constant 0 : i32
        %dma_start3A_439 = tpu.memref_slice %arg6[%dma_start3A_436, %dma_start3A_437, %dma_start3A_438] : memref<2x1x128xi32, #tpu.memory_space<vmem>> -> memref<1x1x128xi32, #tpu.memory_space<vmem>>
        %dma_start3A_440 = tpu.memref_squeeze %dma_start3A_439 : memref<1x1x128xi32, #tpu.memory_space<vmem>> -> memref<1x128xi32, #tpu.memory_space<vmem>>
        %dma_start3A_441 = arith.constant 0 : i32
        %dma_start3A_442 = tpu.memref_slice %arg3[%mul3A_435, %dma_start3A_441] : memref<3136x128xi32, #tpu.memory_space<hbm>> -> memref<1x128xi32, #tpu.memory_space<hbm>>
        %dma_start3A_443 = arith.constant 0 : i32
        %dma_start3A_444 = arith.constant 0 : i32
        %dma_start3A_445 = tpu.memref_slice %arg6[%dma_start3A_436, %dma_start3A_443, %dma_start3A_444] : memref<2x1x128xi32, #tpu.memory_space<vmem>> -> memref<1x1x128xi32, #tpu.memory_space<vmem>>
        %dma_start3A_446 = tpu.memref_squeeze %dma_start3A_445 : memref<1x1x128xi32, #tpu.memory_space<vmem>> -> memref<1x128xi32, #tpu.memory_space<vmem>>
        %dma_start3A_447 = arith.constant 0 : i32
        %dma_start3A_448 = tpu.memref_slice %arg3[%mul3A_435, %dma_start3A_447] : memref<3136x128xi32, #tpu.memory_space<hbm>> -> memref<1x128xi32, #tpu.memory_space<hbm>>
        tpu.enqueue_dma source(%dma_start3A_448 : memref<1x128xi32, #tpu.memory_space<hbm>>) target(%dma_start3A_446 : memref<1x128xi32, #tpu.memory_space<vmem>>) target_semaphore(%arg10 : memref<!tpu.dma_semaphore, #tpu.memory_space<semaphore_mem>>)
        %add3A_449 = arith.constant 2 : i32
        %add3A_450 = arith.addi %add3A_282, %add3A_449 : i32
        %mul3A_451 = arith.constant 128 : i32
        %mul3A_452 = arith.muli %add3A_450, %mul3A_451 : i32
        %dma_start3A_453 = arith.constant 1 : i32
        %dma_start3A_454 = arith.constant 0 : i32
        %dma_start3A_455 = tpu.memref_slice %arg7[%dma_start3A_453, %dma_start3A_454] : memref<2x128xf32, #tpu.memory_space<vmem>> -> memref<1x128xf32, #tpu.memory_space<vmem>>
        %dma_start3A_456 = tpu.memref_squeeze %dma_start3A_455 : memref<1x128xf32, #tpu.memory_space<vmem>> -> memref<128xf32, #tpu.memory_space<vmem>>
        %dma_start3A_457 = tpu.memref_slice %arg4[%mul3A_452] : memref<401408xf32, #tpu.memory_space<hbm>> -> memref<128xf32, #tpu.memory_space<hbm>>
        %dma_start3A_458 = arith.constant 0 : i32
        %dma_start3A_459 = tpu.memref_slice %arg7[%dma_start3A_453, %dma_start3A_458] : memref<2x128xf32, #tpu.memory_space<vmem>> -> memref<1x128xf32, #tpu.memory_space<vmem>>
        %dma_start3A_460 = tpu.memref_squeeze %dma_start3A_459 : memref<1x128xf32, #tpu.memory_space<vmem>> -> memref<128xf32, #tpu.memory_space<vmem>>
        %dma_start3A_461 = tpu.memref_slice %arg4[%mul3A_452] : memref<401408xf32, #tpu.memory_space<hbm>> -> memref<128xf32, #tpu.memory_space<hbm>>
        tpu.enqueue_dma source(%dma_start3A_461 : memref<128xf32, #tpu.memory_space<hbm>>) target(%dma_start3A_460 : memref<128xf32, #tpu.memory_space<vmem>>) target_semaphore(%arg12 : memref<!tpu.dma_semaphore, #tpu.memory_space<semaphore_mem>>)
      } else {
      }
    }
    %scan3A_90 = arith.constant 49 : i32
    %add3A_91 = arith.constant 98 : i32
    %add3A_92 = arith.addi %mul3A_2, %add3A_91 : i32
    %sub3A = arith.constant 2 : i32
    %sub3A_93 = arith.subi %add3A_92, %sub3A : i32
    %mul3A_94 = arith.constant 128 : i32
    %mul3A_95 = arith.muli %sub3A_93, %mul3A_94 : i32
    %dma_wait3A_96 = arith.constant 0 : i32
    %dma_wait3A_97 = arith.constant 0 : i32
    %dma_wait3A_98 = arith.constant 0 : i32
    %dma_wait3A_99 = tpu.memref_slice %arg8[%dma_wait3A_96, %dma_wait3A_97, %dma_wait3A_98] : memref<2x128x128xf32, #tpu.memory_space<vmem>> -> memref<1x128x128xf32, #tpu.memory_space<vmem>>
    %dma_wait3A_100 = tpu.memref_squeeze %dma_wait3A_99 : memref<1x128x128xf32, #tpu.memory_space<vmem>> -> memref<128x128xf32, #tpu.memory_space<vmem>>
    %dma_wait3A_101 = arith.constant 0 : i32
    %dma_wait3A_102 = tpu.memref_slice %arg5[%mul3A_95, %dma_wait3A_101] : memref<401408x128xf32, #tpu.memory_space<hbm>> -> memref<128x128xf32, #tpu.memory_space<hbm>>
    %dma_wait3A_103 = arith.constant 0 : i32
    %dma_wait3A_104 = tpu.memref_slice %arg5[%mul3A_95, %dma_wait3A_103] : memref<401408x128xf32, #tpu.memory_space<hbm>> -> memref<128x128xf32, #tpu.memory_space<hbm>>
    %dma_wait3A_105 = arith.constant 0 : i32
    %dma_wait3A_106 = arith.constant 0 : i32
    %dma_wait3A_107 = tpu.memref_slice %arg8[%dma_wait3A_96, %dma_wait3A_105, %dma_wait3A_106] : memref<2x128x128xf32, #tpu.memory_space<vmem>> -> memref<1x128x128xf32, #tpu.memory_space<vmem>>
    %dma_wait3A_108 = tpu.memref_squeeze %dma_wait3A_107 : memref<1x128x128xf32, #tpu.memory_space<vmem>> -> memref<128x128xf32, #tpu.memory_space<vmem>>
    tpu.wait_dma2 semaphore(%arg13 : memref<!tpu.dma_semaphore, #tpu.memory_space<semaphore_mem>>) src(%dma_wait3A_108 : memref<128x128xf32, #tpu.memory_space<vmem>>) dst(%dma_wait3A_104 : memref<128x128xf32, #tpu.memory_space<hbm>>)
    %add3A_109 = arith.constant 98 : i32
    %add3A_110 = arith.addi %mul3A_2, %add3A_109 : i32
    %sub3A_111 = arith.constant 1 : i32
    %sub3A_112 = arith.subi %add3A_110, %sub3A_111 : i32
    %mul3A_113 = arith.constant 128 : i32
    %mul3A_114 = arith.muli %sub3A_112, %mul3A_113 : i32
    %dma_wait3A_115 = arith.constant 1 : i32
    %dma_wait3A_116 = arith.constant 0 : i32
    %dma_wait3A_117 = arith.constant 0 : i32
    %dma_wait3A_118 = tpu.memref_slice %arg8[%dma_wait3A_115, %dma_wait3A_116, %dma_wait3A_117] : memref<2x128x128xf32, #tpu.memory_space<vmem>> -> memref<1x128x128xf32, #tpu.memory_space<vmem>>
    %dma_wait3A_119 = tpu.memref_squeeze %dma_wait3A_118 : memref<1x128x128xf32, #tpu.memory_space<vmem>> -> memref<128x128xf32, #tpu.memory_space<vmem>>
    %dma_wait3A_120 = arith.constant 0 : i32
    %dma_wait3A_121 = tpu.memref_slice %arg5[%mul3A_114, %dma_wait3A_120] : memref<401408x128xf32, #tpu.memory_space<hbm>> -> memref<128x128xf32, #tpu.memory_space<hbm>>
    %dma_wait3A_122 = arith.constant 0 : i32
    %dma_wait3A_123 = tpu.memref_slice %arg5[%mul3A_114, %dma_wait3A_122] : memref<401408x128xf32, #tpu.memory_space<hbm>> -> memref<128x128xf32, #tpu.memory_space<hbm>>
    %dma_wait3A_124 = arith.constant 0 : i32
    %dma_wait3A_125 = arith.constant 0 : i32
    %dma_wait3A_126 = tpu.memref_slice %arg8[%dma_wait3A_115, %dma_wait3A_124, %dma_wait3A_125] : memref<2x128x128xf32, #tpu.memory_space<vmem>> -> memref<1x128x128xf32, #tpu.memory_space<vmem>>
    %dma_wait3A_127 = tpu.memref_squeeze %dma_wait3A_126 : memref<1x128x128xf32, #tpu.memory_space<vmem>> -> memref<128x128xf32, #tpu.memory_space<vmem>>
    tpu.wait_dma2 semaphore(%arg14 : memref<!tpu.dma_semaphore, #tpu.memory_space<semaphore_mem>>) src(%dma_wait3A_127 : memref<128x128xf32, #tpu.memory_space<vmem>>) dst(%dma_wait3A_123 : memref<128x128xf32, #tpu.memory_space<hbm>>)
    return
  }
}

#map = affine_map<(d0, d1) -> (0, 0)>
#map1 = affine_map<(d0, d1) -> (0)>
module attributes {stable_mosaic.version = 14 : i64} {
  func.func @gather_kernel(%arg0: i32, %arg1: i32, %arg2: memref<50000x128xf32, #tpu.memory_space<hbm>>, %arg3: memref<3136x128xi32, #tpu.memory_space<hbm>>, %arg4: memref<401408xf32, #tpu.memory_space<hbm>>, %arg5: memref<401408x128xf32, #tpu.memory_space<hbm>>, %arg6: memref<2x1x128xi32, #tpu.memory_space<vmem>>, %arg7: memref<2x128xf32, #tpu.memory_space<vmem>>, %arg8: memref<2x128x128xf32, #tpu.memory_space<vmem>>, %arg9: memref<!tpu.dma_semaphore, #tpu.memory_space<semaphore_mem>>, %arg10: memref<!tpu.dma_semaphore, #tpu.memory_space<semaphore_mem>>, %arg11: memref<!tpu.dma_semaphore, #tpu.memory_space<semaphore_mem>>, %arg12: memref<!tpu.dma_semaphore, #tpu.memory_space<semaphore_mem>>, %arg13: memref<!tpu.dma_semaphore, #tpu.memory_space<semaphore_mem>>, %arg14: memref<!tpu.dma_semaphore, #tpu.memory_space<semaphore_mem>>, %arg15: memref<!tpu.dma_semaphore, #tpu.memory_space<semaphore_mem>>, %arg16: memref<!tpu.dma_semaphore, #tpu.memory_space<semaphore_mem>>) attributes {dimension_semantics = [#tpu.dimension_semantics<core_parallel>, #tpu.dimension_semantics<subcore_parallel>], iteration_bounds = array<i64: 2, 16>, scalar_prefetch = 0 : i64, scratch_operands = 11 : i64, tpu.core_type = #tpu.core_type<sc_vector_subcore>, window_params = [{transform_indices = #map}, {transform_indices = #map}, {transform_indices = #map1}, {transform_indices = #map}]} {
    %mul3A = arith.constant 2 : i32
    %mul3A_0 = arith.muli %arg1, %mul3A : i32
    %add3A = arith.addi %mul3A_0, %arg0 : i32
    %mul3A_1 = arith.constant 98 : i32
    %mul3A_2 = arith.muli %add3A, %mul3A_1 : i32
    %iota3A = tpu.iota {dimensions = array<i32: 0>} : vector<16xi32>
    %broadcast_in_dim3A = arith.constant 3 : i32
    %broadcast_in_dim3A_3 = vector.broadcast %broadcast_in_dim3A : i32 to vector<16xi32>
    %mul3A_4 = arith.constant 1 : i32
    %mul3A_5 = arith.muli %mul3A_2, %mul3A_4 : i32
    %dma_start3A = arith.constant 0 : i32
    %dma_start3A_6 = arith.constant 0 : i32
    %dma_start3A_7 = arith.constant 0 : i32
    %dma_start3A_8 = tpu.memref_slice %arg6[%dma_start3A, %dma_start3A_6, %dma_start3A_7] : memref<2x1x128xi32, #tpu.memory_space<vmem>> -> memref<1x1x128xi32, #tpu.memory_space<vmem>>
    %dma_start3A_9 = tpu.memref_squeeze %dma_start3A_8 : memref<1x1x128xi32, #tpu.memory_space<vmem>> -> memref<1x128xi32, #tpu.memory_space<vmem>>
    %dma_start3A_10 = arith.constant 0 : i32
    %dma_start3A_11 = tpu.memref_slice %arg3[%mul3A_5, %dma_start3A_10] : memref<3136x128xi32, #tpu.memory_space<hbm>> -> memref<1x128xi32, #tpu.memory_space<hbm>>
    %dma_start3A_12 = arith.constant 0 : i32
    %dma_start3A_13 = arith.constant 0 : i32
    %dma_start3A_14 = tpu.memref_slice %arg6[%dma_start3A, %dma_start3A_12, %dma_start3A_13] : memref<2x1x128xi32, #tpu.memory_space<vmem>> -> memref<1x1x128xi32, #tpu.memory_space<vmem>>
    %dma_start3A_15 = tpu.memref_squeeze %dma_start3A_14 : memref<1x1x128xi32, #tpu.memory_space<vmem>> -> memref<1x128xi32, #tpu.memory_space<vmem>>
    %dma_start3A_16 = arith.constant 0 : i32
    %dma_start3A_17 = tpu.memref_slice %arg3[%mul3A_5, %dma_start3A_16] : memref<3136x128xi32, #tpu.memory_space<hbm>> -> memref<1x128xi32, #tpu.memory_space<hbm>>
    tpu.enqueue_dma source(%dma_start3A_17 : memref<1x128xi32, #tpu.memory_space<hbm>>) target(%dma_start3A_15 : memref<1x128xi32, #tpu.memory_space<vmem>>) target_semaphore(%arg9 : memref<!tpu.dma_semaphore, #tpu.memory_space<semaphore_mem>>)
    %mul3A_18 = arith.constant 128 : i32
    %mul3A_19 = arith.muli %mul3A_2, %mul3A_18 : i32
    %dma_start3A_20 = arith.constant 0 : i32
    %dma_start3A_21 = arith.constant 0 : i32
    %dma_start3A_22 = tpu.memref_slice %arg7[%dma_start3A_20, %dma_start3A_21] : memref<2x128xf32, #tpu.memory_space<vmem>> -> memref<1x128xf32, #tpu.memory_space<vmem>>
    %dma_start3A_23 = tpu.memref_squeeze %dma_start3A_22 : memref<1x128xf32, #tpu.memory_space<vmem>> -> memref<128xf32, #tpu.memory_space<vmem>>
    %dma_start3A_24 = tpu.memref_slice %arg4[%mul3A_19] : memref<401408xf32, #tpu.memory_space<hbm>> -> memref<128xf32, #tpu.memory_space<hbm>>
    %dma_start3A_25 = arith.constant 0 : i32
    %dma_start3A_26 = tpu.memref_slice %arg7[%dma_start3A_20, %dma_start3A_25] : memref<2x128xf32, #tpu.memory_space<vmem>> -> memref<1x128xf32, #tpu.memory_space<vmem>>
    %dma_start3A_27 = tpu.memref_squeeze %dma_start3A_26 : memref<1x128xf32, #tpu.memory_space<vmem>> -> memref<128xf32, #tpu.memory_space<vmem>>
    %dma_start3A_28 = tpu.memref_slice %arg4[%mul3A_19] : memref<401408xf32, #tpu.memory_space<hbm>> -> memref<128xf32, #tpu.memory_space<hbm>>
    tpu.enqueue_dma source(%dma_start3A_28 : memref<128xf32, #tpu.memory_space<hbm>>) target(%dma_start3A_27 : memref<128xf32, #tpu.memory_space<vmem>>) target_semaphore(%arg11 : memref<!tpu.dma_semaphore, #tpu.memory_space<semaphore_mem>>)
    %add3A_29 = arith.constant 1 : i32
    %add3A_30 = arith.addi %mul3A_2, %add3A_29 : i32
    %mul3A_31 = arith.constant 1 : i32
    %mul3A_32 = arith.muli %add3A_30, %mul3A_31 : i32
    %dma_start3A_33 = arith.constant 1 : i32
    %dma_start3A_34 = arith.constant 0 : i32
    %dma_start3A_35 = arith.constant 0 : i32
    %dma_start3A_36 = tpu.memref_slice %arg6[%dma_start3A_33, %dma_start3A_34, %dma_start3A_35] : memref<2x1x128xi32, #tpu.memory_space<vmem>> -> memref<1x1x128xi32, #tpu.memory_space<vmem>>
    %dma_start3A_37 = tpu.memref_squeeze %dma_start3A_36 : memref<1x1x128xi32, #tpu.memory_space<vmem>> -> memref<1x128xi32, #tpu.memory_space<vmem>>
    %dma_start3A_38 = arith.constant 0 : i32
    %dma_start3A_39 = tpu.memref_slice %arg3[%mul3A_32, %dma_start3A_38] : memref<3136x128xi32, #tpu.memory_space<hbm>> -> memref<1x128xi32, #tpu.memory_space<hbm>>
    %dma_start3A_40 = arith.constant 0 : i32
    %dma_start3A_41 = arith.constant 0 : i32
    %dma_start3A_42 = tpu.memref_slice %arg6[%dma_start3A_33, %dma_start3A_40, %dma_start3A_41] : memref<2x1x128xi32, #tpu.memory_space<vmem>> -> memref<1x1x128xi32, #tpu.memory_space<vmem>>
    %dma_start3A_43 = tpu.memref_squeeze %dma_start3A_42 : memref<1x1x128xi32, #tpu.memory_space<vmem>> -> memref<1x128xi32, #tpu.memory_space<vmem>>
    %dma_start3A_44 = arith.constant 0 : i32
    %dma_start3A_45 = tpu.memref_slice %arg3[%mul3A_32, %dma_start3A_44] : memref<3136x128xi32, #tpu.memory_space<hbm>> -> memref<1x128xi32, #tpu.memory_space<hbm>>
    tpu.enqueue_dma source(%dma_start3A_45 : memref<1x128xi32, #tpu.memory_space<hbm>>) target(%dma_start3A_43 : memref<1x128xi32, #tpu.memory_space<vmem>>) target_semaphore(%arg10 : memref<!tpu.dma_semaphore, #tpu.memory_space<semaphore_mem>>)
    %add3A_46 = arith.constant 1 : i32
    %add3A_47 = arith.addi %mul3A_2, %add3A_46 : i32
    %mul3A_48 = arith.constant 128 : i32
    %mul3A_49 = arith.muli %add3A_47, %mul3A_48 : i32
    %dma_start3A_50 = arith.constant 1 : i32
    %dma_start3A_51 = arith.constant 0 : i32
    %dma_start3A_52 = tpu.memref_slice %arg7[%dma_start3A_50, %dma_start3A_51] : memref<2x128xf32, #tpu.memory_space<vmem>> -> memref<1x128xf32, #tpu.memory_space<vmem>>
    %dma_start3A_53 = tpu.memref_squeeze %dma_start3A_52 : memref<1x128xf32, #tpu.memory_space<vmem>> -> memref<128xf32, #tpu.memory_space<vmem>>
    %dma_start3A_54 = tpu.memref_slice %arg4[%mul3A_49] : memref<401408xf32, #tpu.memory_space<hbm>> -> memref<128xf32, #tpu.memory_space<hbm>>
    %dma_start3A_55 = arith.constant 0 : i32
    %dma_start3A_56 = tpu.memref_slice %arg7[%dma_start3A_50, %dma_start3A_55] : memref<2x128xf32, #tpu.memory_space<vmem>> -> memref<1x128xf32, #tpu.memory_space<vmem>>
    %dma_start3A_57 = tpu.memref_squeeze %dma_start3A_56 : memref<1x128xf32, #tpu.memory_space<vmem>> -> memref<128xf32, #tpu.memory_space<vmem>>
    %dma_start3A_58 = tpu.memref_slice %arg4[%mul3A_49] : memref<401408xf32, #tpu.memory_space<hbm>> -> memref<128xf32, #tpu.memory_space<hbm>>
    tpu.enqueue_dma source(%dma_start3A_58 : memref<128xf32, #tpu.memory_space<hbm>>) target(%dma_start3A_57 : memref<128xf32, #tpu.memory_space<vmem>>) target_semaphore(%arg12 : memref<!tpu.dma_semaphore, #tpu.memory_space<semaphore_mem>>)
    %mul3A_59 = arith.constant 1 : i32
    %mul3A_60 = arith.muli %mul3A_2, %mul3A_59 : i32
    %dma_wait3A = arith.constant 0 : i32
    %dma_wait3A_61 = arith.constant 0 : i32
    %dma_wait3A_62 = arith.constant 0 : i32
    %dma_wait3A_63 = tpu.memref_slice %arg6[%dma_wait3A, %dma_wait3A_61, %dma_wait3A_62] : memref<2x1x128xi32, #tpu.memory_space<vmem>> -> memref<1x1x128xi32, #tpu.memory_space<vmem>>
    %dma_wait3A_64 = tpu.memref_squeeze %dma_wait3A_63 : memref<1x1x128xi32, #tpu.memory_space<vmem>> -> memref<1x128xi32, #tpu.memory_space<vmem>>
    %dma_wait3A_65 = arith.constant 0 : i32
    %dma_wait3A_66 = tpu.memref_slice %arg3[%mul3A_60, %dma_wait3A_65] : memref<3136x128xi32, #tpu.memory_space<hbm>> -> memref<1x128xi32, #tpu.memory_space<hbm>>
    %dma_wait3A_67 = arith.constant 0 : i32
    %dma_wait3A_68 = arith.constant 0 : i32
    %dma_wait3A_69 = tpu.memref_slice %arg6[%dma_wait3A, %dma_wait3A_67, %dma_wait3A_68] : memref<2x1x128xi32, #tpu.memory_space<vmem>> -> memref<1x1x128xi32, #tpu.memory_space<vmem>>
    %dma_wait3A_70 = tpu.memref_squeeze %dma_wait3A_69 : memref<1x1x128xi32, #tpu.memory_space<vmem>> -> memref<1x128xi32, #tpu.memory_space<vmem>>
    %dma_wait3A_71 = arith.constant 0 : i32
    %dma_wait3A_72 = tpu.memref_slice %arg3[%mul3A_60, %dma_wait3A_71] : memref<3136x128xi32, #tpu.memory_space<hbm>> -> memref<1x128xi32, #tpu.memory_space<hbm>>
    tpu.wait_dma2 semaphore(%arg9 : memref<!tpu.dma_semaphore, #tpu.memory_space<semaphore_mem>>) src(%dma_wait3A_72 : memref<1x128xi32, #tpu.memory_space<hbm>>) dst(%dma_wait3A_70 : memref<1x128xi32, #tpu.memory_space<vmem>>)
    %dma_start3A_73 = arith.constant 0 : i32
    %dma_start3A_74 = arith.constant 0 : i32
    %dma_start3A_75 = arith.constant 0 : i32
    %dma_start3A_76 = arith.constant 0 : i32
    %dma_start3A_77 = arith.constant 0 : i32
    %dma_start3A_78 = tpu.memref_slice %arg8[%dma_start3A_75, %dma_start3A_76, %dma_start3A_77] : memref<2x128x128xf32, #tpu.memory_space<vmem>> -> memref<1x128x128xf32, #tpu.memory_space<vmem>>
    %dma_start3A_79 = tpu.memref_squeeze %dma_start3A_78 : memref<1x128x128xf32, #tpu.memory_space<vmem>> -> memref<128x128xf32, #tpu.memory_space<vmem>>
    %dma_start3A_80 = arith.constant 0 : i32
    %dma_start3A_81 = tpu.memref_slice %arg6[%dma_start3A_73, %dma_start3A_74, %dma_start3A_80] : memref<2x1x128xi32, #tpu.memory_space<vmem>> -> memref<1x1x128xi32, #tpu.memory_space<vmem>>
    %dma_start3A_82 = tpu.memref_squeeze %dma_start3A_81 : memref<1x1x128xi32, #tpu.memory_space<vmem>> -> memref<128xi32, #tpu.memory_space<vmem>>
    %dma_start3A_83 = arith.constant 0 : i32
    %dma_start3A_84 = arith.constant 0 : i32
    %dma_start3A_85 = tpu.memref_slice %arg2[%dma_start3A_83, %dma_start3A_84] : memref<50000x128xf32, #tpu.memory_space<hbm>> -> memref<50000x128xf32, #tpu.memory_space<hbm>>
    tpu.enqueue_indirect_dma source(%dma_start3A_85 : memref<50000x128xf32, #tpu.memory_space<hbm>>) target(%dma_start3A_79 : memref<128x128xf32, #tpu.memory_space<vmem>>) offsets(%dma_start3A_82 : memref<128xi32, #tpu.memory_space<vmem>>) semaphore(%arg15 : memref<!tpu.dma_semaphore, #tpu.memory_space<semaphore_mem>>)
    %scan3A = arith.constant 0 : i32
    %scan3A_86 = arith.constant 0 : i32
    %scan3A_87 = arith.constant 49 : i32
    %scan3A_88 = arith.addi %scan3A_86, %scan3A_87 : i32
    %scan3A_89 = arith.constant 1 : i32
    scf.for %scan3A_128 = %scan3A_86 to %scan3A_88 step %scan3A_89  : i32 {
      %mul3A_129 = arith.constant 2 : i32
      %mul3A_130 = arith.muli %scan3A_128, %mul3A_129 : i32
      %add3A_131 = arith.constant 0 : i32
      %add3A_132 = arith.addi %mul3A_130, %add3A_131 : i32
      %add3A_133 = arith.addi %mul3A_2, %add3A_132 : i32
      %add3A_134 = arith.constant 1 : i32
      %add3A_135 = arith.addi %add3A_132, %add3A_134 : i32
      %lt3A = arith.constant 98 : i32
      %lt3A_136 = arith.cmpi slt, %add3A_135, %lt3A : i32
      %convert_element_type3A = arith.extui %lt3A_136 : i1 to i32
      %cond3A = arith.constant 0 : i32
      %cond3A_137 = arith.cmpi ne, %convert_element_type3A, %cond3A : i32
      scf.if %cond3A_137 {
        %add3A_432 = arith.constant 1 : i32
        %add3A_433 = arith.addi %add3A_133, %add3A_432 : i32
        %mul3A_434 = arith.constant 1 : i32
        %mul3A_435 = arith.muli %add3A_433, %mul3A_434 : i32
        %dma_wait3A_436 = arith.constant 1 : i32
        %dma_wait3A_437 = arith.constant 0 : i32
        %dma_wait3A_438 = arith.constant 0 : i32
        %dma_wait3A_439 = tpu.memref_slice %arg6[%dma_wait3A_436, %dma_wait3A_437, %dma_wait3A_438] : memref<2x1x128xi32, #tpu.memory_space<vmem>> -> memref<1x1x128xi32, #tpu.memory_space<vmem>>
        %dma_wait3A_440 = tpu.memref_squeeze %dma_wait3A_439 : memref<1x1x128xi32, #tpu.memory_space<vmem>> -> memref<1x128xi32, #tpu.memory_space<vmem>>
        %dma_wait3A_441 = arith.constant 0 : i32
        %dma_wait3A_442 = tpu.memref_slice %arg3[%mul3A_435, %dma_wait3A_441] : memref<3136x128xi32, #tpu.memory_space<hbm>> -> memref<1x128xi32, #tpu.memory_space<hbm>>
        %dma_wait3A_443 = arith.constant 0 : i32
        %dma_wait3A_444 = arith.constant 0 : i32
        %dma_wait3A_445 = tpu.memref_slice %arg6[%dma_wait3A_436, %dma_wait3A_443, %dma_wait3A_444] : memref<2x1x128xi32, #tpu.memory_space<vmem>> -> memref<1x1x128xi32, #tpu.memory_space<vmem>>
        %dma_wait3A_446 = tpu.memref_squeeze %dma_wait3A_445 : memref<1x1x128xi32, #tpu.memory_space<vmem>> -> memref<1x128xi32, #tpu.memory_space<vmem>>
        %dma_wait3A_447 = arith.constant 0 : i32
        %dma_wait3A_448 = tpu.memref_slice %arg3[%mul3A_435, %dma_wait3A_447] : memref<3136x128xi32, #tpu.memory_space<hbm>> -> memref<1x128xi32, #tpu.memory_space<hbm>>
        tpu.wait_dma2 semaphore(%arg10 : memref<!tpu.dma_semaphore, #tpu.memory_space<semaphore_mem>>) src(%dma_wait3A_448 : memref<1x128xi32, #tpu.memory_space<hbm>>) dst(%dma_wait3A_446 : memref<1x128xi32, #tpu.memory_space<vmem>>)
        %ge3A = arith.constant 1 : i32
        %ge3A_449 = arith.cmpi sge, %add3A_132, %ge3A : i32
        %convert_element_type3A_450 = arith.extui %ge3A_449 : i1 to i32
        %cond3A_451 = arith.constant 0 : i32
        %cond3A_452 = arith.cmpi ne, %convert_element_type3A_450, %cond3A_451 : i32
        scf.if %cond3A_452 {
          %sub3A_466 = arith.constant 1 : i32
          %sub3A_467 = arith.subi %add3A_133, %sub3A_466 : i32
          %mul3A_468 = arith.constant 128 : i32
          %mul3A_469 = arith.muli %sub3A_467, %mul3A_468 : i32
          %dma_wait3A_470 = arith.constant 1 : i32
          %dma_wait3A_471 = arith.constant 0 : i32
          %dma_wait3A_472 = arith.constant 0 : i32
          %dma_wait3A_473 = tpu.memref_slice %arg8[%dma_wait3A_470, %dma_wait3A_471, %dma_wait3A_472] : memref<2x128x128xf32, #tpu.memory_space<vmem>> -> memref<1x128x128xf32, #tpu.memory_space<vmem>>
          %dma_wait3A_474 = tpu.memref_squeeze %dma_wait3A_473 : memref<1x128x128xf32, #tpu.memory_space<vmem>> -> memref<128x128xf32, #tpu.memory_space<vmem>>
          %dma_wait3A_475 = arith.constant 0 : i32
          %dma_wait3A_476 = tpu.memref_slice %arg5[%mul3A_469, %dma_wait3A_475] : memref<401408x128xf32, #tpu.memory_space<hbm>> -> memref<128x128xf32, #tpu.memory_space<hbm>>
          %dma_wait3A_477 = arith.constant 0 : i32
          %dma_wait3A_478 = tpu.memref_slice %arg5[%mul3A_469, %dma_wait3A_477] : memref<401408x128xf32, #tpu.memory_space<hbm>> -> memref<128x128xf32, #tpu.memory_space<hbm>>
          %dma_wait3A_479 = arith.constant 0 : i32
          %dma_wait3A_480 = arith.constant 0 : i32
          %dma_wait3A_481 = tpu.memref_slice %arg8[%dma_wait3A_470, %dma_wait3A_479, %dma_wait3A_480] : memref<2x128x128xf32, #tpu.memory_space<vmem>> -> memref<1x128x128xf32, #tpu.memory_space<vmem>>
          %dma_wait3A_482 = tpu.memref_squeeze %dma_wait3A_481 : memref<1x128x128xf32, #tpu.memory_space<vmem>> -> memref<128x128xf32, #tpu.memory_space<vmem>>
          tpu.wait_dma2 semaphore(%arg14 : memref<!tpu.dma_semaphore, #tpu.memory_space<semaphore_mem>>) src(%dma_wait3A_482 : memref<128x128xf32, #tpu.memory_space<vmem>>) dst(%dma_wait3A_478 : memref<128x128xf32, #tpu.memory_space<hbm>>)
        } else {
        }
        %dma_start3A_453 = arith.constant 1 : i32
        %dma_start3A_454 = arith.constant 0 : i32
        %dma_start3A_455 = arith.constant 1 : i32
        %dma_start3A_456 = arith.constant 0 : i32
        %dma_start3A_457 = arith.constant 0 : i32
        %dma_start3A_458 = tpu.memref_slice %arg8[%dma_start3A_455, %dma_start3A_456, %dma_start3A_457] : memref<2x128x128xf32, #tpu.memory_space<vmem>> -> memref<1x128x128xf32, #tpu.memory_space<vmem>>
        %dma_start3A_459 = tpu.memref_squeeze %dma_start3A_458 : memref<1x128x128xf32, #tpu.memory_space<vmem>> -> memref<128x128xf32, #tpu.memory_space<vmem>>
        %dma_start3A_460 = arith.constant 0 : i32
        %dma_start3A_461 = tpu.memref_slice %arg6[%dma_start3A_453, %dma_start3A_454, %dma_start3A_460] : memref<2x1x128xi32, #tpu.memory_space<vmem>> -> memref<1x1x128xi32, #tpu.memory_space<vmem>>
        %dma_start3A_462 = tpu.memref_squeeze %dma_start3A_461 : memref<1x1x128xi32, #tpu.memory_space<vmem>> -> memref<128xi32, #tpu.memory_space<vmem>>
        %dma_start3A_463 = arith.constant 0 : i32
        %dma_start3A_464 = arith.constant 0 : i32
        %dma_start3A_465 = tpu.memref_slice %arg2[%dma_start3A_463, %dma_start3A_464] : memref<50000x128xf32, #tpu.memory_space<hbm>> -> memref<50000x128xf32, #tpu.memory_space<hbm>>
        tpu.enqueue_indirect_dma source(%dma_start3A_465 : memref<50000x128xf32, #tpu.memory_space<hbm>>) target(%dma_start3A_459 : memref<128x128xf32, #tpu.memory_space<vmem>>) offsets(%dma_start3A_462 : memref<128xi32, #tpu.memory_space<vmem>>) semaphore(%arg16 : memref<!tpu.dma_semaphore, #tpu.memory_space<semaphore_mem>>)
      } else {
      }
      %dma_wait3A_138 = arith.constant 0 : i32
      %dma_wait3A_139 = arith.constant 0 : i32
      %dma_wait3A_140 = arith.constant 0 : i32
      %dma_wait3A_141 = arith.constant 0 : i32
      %dma_wait3A_142 = arith.constant 0 : i32
      %dma_wait3A_143 = tpu.memref_slice %arg8[%dma_wait3A_140, %dma_wait3A_141, %dma_wait3A_142] : memref<2x128x128xf32, #tpu.memory_space<vmem>> -> memref<1x128x128xf32, #tpu.memory_space<vmem>>
      %dma_wait3A_144 = tpu.memref_squeeze %dma_wait3A_143 : memref<1x128x128xf32, #tpu.memory_space<vmem>> -> memref<128x128xf32, #tpu.memory_space<vmem>>
      %dma_wait3A_145 = arith.constant 0 : i32
      %dma_wait3A_146 = tpu.memref_slice %arg6[%dma_wait3A_138, %dma_wait3A_139, %dma_wait3A_145] : memref<2x1x128xi32, #tpu.memory_space<vmem>> -> memref<1x1x128xi32, #tpu.memory_space<vmem>>
      %dma_wait3A_147 = tpu.memref_squeeze %dma_wait3A_146 : memref<1x1x128xi32, #tpu.memory_space<vmem>> -> memref<128xi32, #tpu.memory_space<vmem>>
      %dma_wait3A_148 = arith.constant 0 : i32
      %dma_wait3A_149 = arith.constant 0 : i32
      %dma_wait3A_150 = tpu.memref_slice %arg2[%dma_wait3A_148, %dma_wait3A_149] : memref<50000x128xf32, #tpu.memory_space<hbm>> -> memref<50000x128xf32, #tpu.memory_space<hbm>>
      tpu.wait_indirect_dma semaphore(%arg15 : memref<!tpu.dma_semaphore, #tpu.memory_space<semaphore_mem>>) src(%dma_wait3A_150 : memref<50000x128xf32, #tpu.memory_space<hbm>>) dst(%dma_wait3A_144 : memref<128x128xf32, #tpu.memory_space<vmem>>)
      %mul3A_151 = arith.constant 128 : i32
      %mul3A_152 = arith.muli %add3A_133, %mul3A_151 : i32
      %dma_wait3A_153 = arith.constant 0 : i32
      %dma_wait3A_154 = arith.constant 0 : i32
      %dma_wait3A_155 = tpu.memref_slice %arg7[%dma_wait3A_153, %dma_wait3A_154] : memref<2x128xf32, #tpu.memory_space<vmem>> -> memref<1x128xf32, #tpu.memory_space<vmem>>
      %dma_wait3A_156 = tpu.memref_squeeze %dma_wait3A_155 : memref<1x128xf32, #tpu.memory_space<vmem>> -> memref<128xf32, #tpu.memory_space<vmem>>
      %dma_wait3A_157 = tpu.memref_slice %arg4[%mul3A_152] : memref<401408xf32, #tpu.memory_space<hbm>> -> memref<128xf32, #tpu.memory_space<hbm>>
      %dma_wait3A_158 = arith.constant 0 : i32
      %dma_wait3A_159 = tpu.memref_slice %arg7[%dma_wait3A_153, %dma_wait3A_158] : memref<2x128xf32, #tpu.memory_space<vmem>> -> memref<1x128xf32, #tpu.memory_space<vmem>>
      %dma_wait3A_160 = tpu.memref_squeeze %dma_wait3A_159 : memref<1x128xf32, #tpu.memory_space<vmem>> -> memref<128xf32, #tpu.memory_space<vmem>>
      %dma_wait3A_161 = tpu.memref_slice %arg4[%mul3A_152] : memref<401408xf32, #tpu.memory_space<hbm>> -> memref<128xf32, #tpu.memory_space<hbm>>
      tpu.wait_dma2 semaphore(%arg11 : memref<!tpu.dma_semaphore, #tpu.memory_space<semaphore_mem>>) src(%dma_wait3A_161 : memref<128xf32, #tpu.memory_space<hbm>>) dst(%dma_wait3A_160 : memref<128xf32, #tpu.memory_space<vmem>>)
      %get3A = arith.constant 0 : i32
      %get3A_162 = arith.index_cast %get3A : i32 to index
      %get3A_163 = arith.constant 0 : index
      %get3A_164 = tpu.vector_load %arg7[%get3A_162, %get3A_163] {strides = array<i32>} : memref<2x128xf32, #tpu.memory_space<vmem>>, vector<16xf32>,
      %add3A_165 = arith.constant 0 : i32
      %add3A_166 = vector.broadcast %add3A_165 : i32 to vector<16xi32>
      %add3A_167 = arith.addi %add3A_166, %iota3A : vector<16xi32>
      %scatter3A = arith.constant 0 : i32
      %scatter3A_168 = arith.constant 0 : i32
      %scatter3A_169 = arith.constant 0 : i32
      %scatter3A_170 = tpu.memref_slice %arg8[%scatter3A, %scatter3A_168, %scatter3A_169] : memref<2x128x128xf32, #tpu.memory_space<vmem>> -> memref<1x128x128xf32, #tpu.memory_space<vmem>>
      %scatter3A_171 = tpu.memref_squeeze %scatter3A_170 : memref<1x128x128xf32, #tpu.memory_space<vmem>> -> memref<128x128xf32, #tpu.memory_space<vmem>>
      tpu.vector_store_idx %scatter3A_171[%add3A_167, %broadcast_in_dim3A_3], %get3A_164 : memref<128x128xf32, #tpu.memory_space<vmem>>[vector<16xi32>, vector<16xi32>], vector<16xf32>,
      %get3A_172 = arith.constant 0 : i32
      %get3A_173 = arith.index_cast %get3A_172 : i32 to index
      %get3A_174 = arith.constant 16 : index
      %get3A_175 = tpu.vector_load %arg7[%get3A_173, %get3A_174] {strides = array<i32>} : memref<2x128xf32, #tpu.memory_space<vmem>>, vector<16xf32>,
      %add3A_176 = arith.constant 16 : i32
      %add3A_177 = vector.broadcast %add3A_176 : i32 to vector<16xi32>
      %add3A_178 = arith.addi %add3A_177, %iota3A : vector<16xi32>
      %scatter3A_179 = arith.constant 0 : i32
      %scatter3A_180 = arith.constant 0 : i32
      %scatter3A_181 = arith.constant 0 : i32
      %scatter3A_182 = tpu.memref_slice %arg8[%scatter3A_179, %scatter3A_180, %scatter3A_181] : memref<2x128x128xf32, #tpu.memory_space<vmem>> -> memref<1x128x128xf32, #tpu.memory_space<vmem>>
      %scatter3A_183 = tpu.memref_squeeze %scatter3A_182 : memref<1x128x128xf32, #tpu.memory_space<vmem>> -> memref<128x128xf32, #tpu.memory_space<vmem>>
      tpu.vector_store_idx %scatter3A_183[%add3A_178, %broadcast_in_dim3A_3], %get3A_175 : memref<128x128xf32, #tpu.memory_space<vmem>>[vector<16xi32>, vector<16xi32>], vector<16xf32>,
      %get3A_184 = arith.constant 0 : i32
      %get3A_185 = arith.index_cast %get3A_184 : i32 to index
      %get3A_186 = arith.constant 32 : index
      %get3A_187 = tpu.vector_load %arg7[%get3A_185, %get3A_186] {strides = array<i32>} : memref<2x128xf32, #tpu.memory_space<vmem>>, vector<16xf32>,
      %add3A_188 = arith.constant 32 : i32
      %add3A_189 = vector.broadcast %add3A_188 : i32 to vector<16xi32>
      %add3A_190 = arith.addi %add3A_189, %iota3A : vector<16xi32>
      %scatter3A_191 = arith.constant 0 : i32
      %scatter3A_192 = arith.constant 0 : i32
      %scatter3A_193 = arith.constant 0 : i32
      %scatter3A_194 = tpu.memref_slice %arg8[%scatter3A_191, %scatter3A_192, %scatter3A_193] : memref<2x128x128xf32, #tpu.memory_space<vmem>> -> memref<1x128x128xf32, #tpu.memory_space<vmem>>
      %scatter3A_195 = tpu.memref_squeeze %scatter3A_194 : memref<1x128x128xf32, #tpu.memory_space<vmem>> -> memref<128x128xf32, #tpu.memory_space<vmem>>
      tpu.vector_store_idx %scatter3A_195[%add3A_190, %broadcast_in_dim3A_3], %get3A_187 : memref<128x128xf32, #tpu.memory_space<vmem>>[vector<16xi32>, vector<16xi32>], vector<16xf32>,
      %get3A_196 = arith.constant 0 : i32
      %get3A_197 = arith.index_cast %get3A_196 : i32 to index
      %get3A_198 = arith.constant 48 : index
      %get3A_199 = tpu.vector_load %arg7[%get3A_197, %get3A_198] {strides = array<i32>} : memref<2x128xf32, #tpu.memory_space<vmem>>, vector<16xf32>,
      %add3A_200 = arith.constant 48 : i32
      %add3A_201 = vector.broadcast %add3A_200 : i32 to vector<16xi32>
      %add3A_202 = arith.addi %add3A_201, %iota3A : vector<16xi32>
      %scatter3A_203 = arith.constant 0 : i32
      %scatter3A_204 = arith.constant 0 : i32
      %scatter3A_205 = arith.constant 0 : i32
      %scatter3A_206 = tpu.memref_slice %arg8[%scatter3A_203, %scatter3A_204, %scatter3A_205] : memref<2x128x128xf32, #tpu.memory_space<vmem>> -> memref<1x128x128xf32, #tpu.memory_space<vmem>>
      %scatter3A_207 = tpu.memref_squeeze %scatter3A_206 : memref<1x128x128xf32, #tpu.memory_space<vmem>> -> memref<128x128xf32, #tpu.memory_space<vmem>>
      tpu.vector_store_idx %scatter3A_207[%add3A_202, %broadcast_in_dim3A_3], %get3A_199 : memref<128x128xf32, #tpu.memory_space<vmem>>[vector<16xi32>, vector<16xi32>], vector<16xf32>,
      %get3A_208 = arith.constant 0 : i32
      %get3A_209 = arith.index_cast %get3A_208 : i32 to index
      %get3A_210 = arith.constant 64 : index
      %get3A_211 = tpu.vector_load %arg7[%get3A_209, %get3A_210] {strides = array<i32>} : memref<2x128xf32, #tpu.memory_space<vmem>>, vector<16xf32>,
      %add3A_212 = arith.constant 64 : i32
      %add3A_213 = vector.broadcast %add3A_212 : i32 to vector<16xi32>
      %add3A_214 = arith.addi %add3A_213, %iota3A : vector<16xi32>
      %scatter3A_215 = arith.constant 0 : i32
      %scatter3A_216 = arith.constant 0 : i32
      %scatter3A_217 = arith.constant 0 : i32
      %scatter3A_218 = tpu.memref_slice %arg8[%scatter3A_215, %scatter3A_216, %scatter3A_217] : memref<2x128x128xf32, #tpu.memory_space<vmem>> -> memref<1x128x128xf32, #tpu.memory_space<vmem>>
      %scatter3A_219 = tpu.memref_squeeze %scatter3A_218 : memref<1x128x128xf32, #tpu.memory_space<vmem>> -> memref<128x128xf32, #tpu.memory_space<vmem>>
      tpu.vector_store_idx %scatter3A_219[%add3A_214, %broadcast_in_dim3A_3], %get3A_211 : memref<128x128xf32, #tpu.memory_space<vmem>>[vector<16xi32>, vector<16xi32>], vector<16xf32>,
      %get3A_220 = arith.constant 0 : i32
      %get3A_221 = arith.index_cast %get3A_220 : i32 to index
      %get3A_222 = arith.constant 80 : index
      %get3A_223 = tpu.vector_load %arg7[%get3A_221, %get3A_222] {strides = array<i32>} : memref<2x128xf32, #tpu.memory_space<vmem>>, vector<16xf32>,
      %add3A_224 = arith.constant 80 : i32
      %add3A_225 = vector.broadcast %add3A_224 : i32 to vector<16xi32>
      %add3A_226 = arith.addi %add3A_225, %iota3A : vector<16xi32>
      %scatter3A_227 = arith.constant 0 : i32
      %scatter3A_228 = arith.constant 0 : i32
      %scatter3A_229 = arith.constant 0 : i32
      %scatter3A_230 = tpu.memref_slice %arg8[%scatter3A_227, %scatter3A_228, %scatter3A_229] : memref<2x128x128xf32, #tpu.memory_space<vmem>> -> memref<1x128x128xf32, #tpu.memory_space<vmem>>
      %scatter3A_231 = tpu.memref_squeeze %scatter3A_230 : memref<1x128x128xf32, #tpu.memory_space<vmem>> -> memref<128x128xf32, #tpu.memory_space<vmem>>
      tpu.vector_store_idx %scatter3A_231[%add3A_226, %broadcast_in_dim3A_3], %get3A_223 : memref<128x128xf32, #tpu.memory_space<vmem>>[vector<16xi32>, vector<16xi32>], vector<16xf32>,
      %get3A_232 = arith.constant 0 : i32
      %get3A_233 = arith.index_cast %get3A_232 : i32 to index
      %get3A_234 = arith.constant 96 : index
      %get3A_235 = tpu.vector_load %arg7[%get3A_233, %get3A_234] {strides = array<i32>} : memref<2x128xf32, #tpu.memory_space<vmem>>, vector<16xf32>,
      %add3A_236 = arith.constant 96 : i32
      %add3A_237 = vector.broadcast %add3A_236 : i32 to vector<16xi32>
      %add3A_238 = arith.addi %add3A_237, %iota3A : vector<16xi32>
      %scatter3A_239 = arith.constant 0 : i32
      %scatter3A_240 = arith.constant 0 : i32
      %scatter3A_241 = arith.constant 0 : i32
      %scatter3A_242 = tpu.memref_slice %arg8[%scatter3A_239, %scatter3A_240, %scatter3A_241] : memref<2x128x128xf32, #tpu.memory_space<vmem>> -> memref<1x128x128xf32, #tpu.memory_space<vmem>>
      %scatter3A_243 = tpu.memref_squeeze %scatter3A_242 : memref<1x128x128xf32, #tpu.memory_space<vmem>> -> memref<128x128xf32, #tpu.memory_space<vmem>>
      tpu.vector_store_idx %scatter3A_243[%add3A_238, %broadcast_in_dim3A_3], %get3A_235 : memref<128x128xf32, #tpu.memory_space<vmem>>[vector<16xi32>, vector<16xi32>], vector<16xf32>,
      %get3A_244 = arith.constant 0 : i32
      %get3A_245 = arith.index_cast %get3A_244 : i32 to index
      %get3A_246 = arith.constant 112 : index
      %get3A_247 = tpu.vector_load %arg7[%get3A_245, %get3A_246] {strides = array<i32>} : memref<2x128xf32, #tpu.memory_space<vmem>>, vector<16xf32>,
      %add3A_248 = arith.constant 112 : i32
      %add3A_249 = vector.broadcast %add3A_248 : i32 to vector<16xi32>
      %add3A_250 = arith.addi %add3A_249, %iota3A : vector<16xi32>
      %scatter3A_251 = arith.constant 0 : i32
      %scatter3A_252 = arith.constant 0 : i32
      %scatter3A_253 = arith.constant 0 : i32
      %scatter3A_254 = tpu.memref_slice %arg8[%scatter3A_251, %scatter3A_252, %scatter3A_253] : memref<2x128x128xf32, #tpu.memory_space<vmem>> -> memref<1x128x128xf32, #tpu.memory_space<vmem>>
      %scatter3A_255 = tpu.memref_squeeze %scatter3A_254 : memref<1x128x128xf32, #tpu.memory_space<vmem>> -> memref<128x128xf32, #tpu.memory_space<vmem>>
      tpu.vector_store_idx %scatter3A_255[%add3A_250, %broadcast_in_dim3A_3], %get3A_247 : memref<128x128xf32, #tpu.memory_space<vmem>>[vector<16xi32>, vector<16xi32>], vector<16xf32>,
      %mul3A_256 = arith.constant 128 : i32
      %mul3A_257 = arith.muli %add3A_133, %mul3A_256 : i32
      %dma_start3A_258 = arith.constant 0 : i32
      %dma_start3A_259 = arith.constant 0 : i32
      %dma_start3A_260 = arith.constant 0 : i32
      %dma_start3A_261 = tpu.memref_slice %arg8[%dma_start3A_258, %dma_start3A_259, %dma_start3A_260] : memref<2x128x128xf32, #tpu.memory_space<vmem>> -> memref<1x128x128xf32, #tpu.memory_space<vmem>>
      %dma_start3A_262 = tpu.memref_squeeze %dma_start3A_261 : memref<1x128x128xf32, #tpu.memory_space<vmem>> -> memref<128x128xf32, #tpu.memory_space<vmem>>
      %dma_start3A_263 = arith.constant 0 : i32
      %dma_start3A_264 = tpu.memref_slice %arg5[%mul3A_257, %dma_start3A_263] : memref<401408x128xf32, #tpu.memory_space<hbm>> -> memref<128x128xf32, #tpu.memory_space<hbm>>
      %dma_start3A_265 = arith.constant 0 : i32
      %dma_start3A_266 = tpu.memref_slice %arg5[%mul3A_257, %dma_start3A_265] : memref<401408x128xf32, #tpu.memory_space<hbm>> -> memref<128x128xf32, #tpu.memory_space<hbm>>
      %dma_start3A_267 = arith.constant 0 : i32
      %dma_start3A_268 = arith.constant 0 : i32
      %dma_start3A_269 = tpu.memref_slice %arg8[%dma_start3A_258, %dma_start3A_267, %dma_start3A_268] : memref<2x128x128xf32, #tpu.memory_space<vmem>> -> memref<1x128x128xf32, #tpu.memory_space<vmem>>
      %dma_start3A_270 = tpu.memref_squeeze %dma_start3A_269 : memref<1x128x128xf32, #tpu.memory_space<vmem>> -> memref<128x128xf32, #tpu.memory_space<vmem>>
      tpu.enqueue_dma source(%dma_start3A_270 : memref<128x128xf32, #tpu.memory_space<vmem>>) target(%dma_start3A_266 : memref<128x128xf32, #tpu.memory_space<hbm>>) target_semaphore(%arg13 : memref<!tpu.dma_semaphore, #tpu.memory_space<semaphore_mem>>)
      %add3A_271 = arith.constant 2 : i32
      %add3A_272 = arith.addi %add3A_132, %add3A_271 : i32
      %lt3A_273 = arith.constant 98 : i32
      %lt3A_274 = arith.cmpi slt, %add3A_272, %lt3A_273 : i32
      %convert_element_type3A_275 = arith.extui %lt3A_274 : i1 to i32
      %cond3A_276 = arith.constant 0 : i32
      %cond3A_277 = arith.cmpi ne, %convert_element_type3A_275, %cond3A_276 : i32
      scf.if %cond3A_277 {
        %add3A_432 = arith.constant 2 : i32
        %add3A_433 = arith.addi %add3A_133, %add3A_432 : i32
        %mul3A_434 = arith.constant 1 : i32
        %mul3A_435 = arith.muli %add3A_433, %mul3A_434 : i32
        %dma_start3A_436 = arith.constant 0 : i32
        %dma_start3A_437 = arith.constant 0 : i32
        %dma_start3A_438 = arith.constant 0 : i32
        %dma_start3A_439 = tpu.memref_slice %arg6[%dma_start3A_436, %dma_start3A_437, %dma_start3A_438] : memref<2x1x128xi32, #tpu.memory_space<vmem>> -> memref<1x1x128xi32, #tpu.memory_space<vmem>>
        %dma_start3A_440 = tpu.memref_squeeze %dma_start3A_439 : memref<1x1x128xi32, #tpu.memory_space<vmem>> -> memref<1x128xi32, #tpu.memory_space<vmem>>
        %dma_start3A_441 = arith.constant 0 : i32
        %dma_start3A_442 = tpu.memref_slice %arg3[%mul3A_435, %dma_start3A_441] : memref<3136x128xi32, #tpu.memory_space<hbm>> -> memref<1x128xi32, #tpu.memory_space<hbm>>
        %dma_start3A_443 = arith.constant 0 : i32
        %dma_start3A_444 = arith.constant 0 : i32
        %dma_start3A_445 = tpu.memref_slice %arg6[%dma_start3A_436, %dma_start3A_443, %dma_start3A_444] : memref<2x1x128xi32, #tpu.memory_space<vmem>> -> memref<1x1x128xi32, #tpu.memory_space<vmem>>
        %dma_start3A_446 = tpu.memref_squeeze %dma_start3A_445 : memref<1x1x128xi32, #tpu.memory_space<vmem>> -> memref<1x128xi32, #tpu.memory_space<vmem>>
        %dma_start3A_447 = arith.constant 0 : i32
        %dma_start3A_448 = tpu.memref_slice %arg3[%mul3A_435, %dma_start3A_447] : memref<3136x128xi32, #tpu.memory_space<hbm>> -> memref<1x128xi32, #tpu.memory_space<hbm>>
        tpu.enqueue_dma source(%dma_start3A_448 : memref<1x128xi32, #tpu.memory_space<hbm>>) target(%dma_start3A_446 : memref<1x128xi32, #tpu.memory_space<vmem>>) target_semaphore(%arg9 : memref<!tpu.dma_semaphore, #tpu.memory_space<semaphore_mem>>)
        %add3A_449 = arith.constant 2 : i32
        %add3A_450 = arith.addi %add3A_133, %add3A_449 : i32
        %mul3A_451 = arith.constant 128 : i32
        %mul3A_452 = arith.muli %add3A_450, %mul3A_451 : i32
        %dma_start3A_453 = arith.constant 0 : i32
        %dma_start3A_454 = arith.constant 0 : i32
        %dma_start3A_455 = tpu.memref_slice %arg7[%dma_start3A_453, %dma_start3A_454] : memref<2x128xf32, #tpu.memory_space<vmem>> -> memref<1x128xf32, #tpu.memory_space<vmem>>
        %dma_start3A_456 = tpu.memref_squeeze %dma_start3A_455 : memref<1x128xf32, #tpu.memory_space<vmem>> -> memref<128xf32, #tpu.memory_space<vmem>>
        %dma_start3A_457 = tpu.memref_slice %arg4[%mul3A_452] : memref<401408xf32, #tpu.memory_space<hbm>> -> memref<128xf32, #tpu.memory_space<hbm>>
        %dma_start3A_458 = arith.constant 0 : i32
        %dma_start3A_459 = tpu.memref_slice %arg7[%dma_start3A_453, %dma_start3A_458] : memref<2x128xf32, #tpu.memory_space<vmem>> -> memref<1x128xf32, #tpu.memory_space<vmem>>
        %dma_start3A_460 = tpu.memref_squeeze %dma_start3A_459 : memref<1x128xf32, #tpu.memory_space<vmem>> -> memref<128xf32, #tpu.memory_space<vmem>>
        %dma_start3A_461 = tpu.memref_slice %arg4[%mul3A_452] : memref<401408xf32, #tpu.memory_space<hbm>> -> memref<128xf32, #tpu.memory_space<hbm>>
        tpu.enqueue_dma source(%dma_start3A_461 : memref<128xf32, #tpu.memory_space<hbm>>) target(%dma_start3A_460 : memref<128xf32, #tpu.memory_space<vmem>>) target_semaphore(%arg11 : memref<!tpu.dma_semaphore, #tpu.memory_space<semaphore_mem>>)
      } else {
      }
      %mul3A_278 = arith.constant 2 : i32
      %mul3A_279 = arith.muli %scan3A_128, %mul3A_278 : i32
      %add3A_280 = arith.constant 1 : i32
      %add3A_281 = arith.addi %mul3A_279, %add3A_280 : i32
      %add3A_282 = arith.addi %mul3A_2, %add3A_281 : i32
      %add3A_283 = arith.constant 1 : i32
      %add3A_284 = arith.addi %add3A_281, %add3A_283 : i32
      %lt3A_285 = arith.constant 98 : i32
      %lt3A_286 = arith.cmpi slt, %add3A_284, %lt3A_285 : i32
      %convert_element_type3A_287 = arith.extui %lt3A_286 : i1 to i32
      %cond3A_288 = arith.constant 0 : i32
      %cond3A_289 = arith.cmpi ne, %convert_element_type3A_287, %cond3A_288 : i32
      scf.if %cond3A_289 {
        %add3A_432 = arith.constant 1 : i32
        %add3A_433 = arith.addi %add3A_282, %add3A_432 : i32
        %mul3A_434 = arith.constant 1 : i32
        %mul3A_435 = arith.muli %add3A_433, %mul3A_434 : i32
        %dma_wait3A_436 = arith.constant 0 : i32
        %dma_wait3A_437 = arith.constant 0 : i32
        %dma_wait3A_438 = arith.constant 0 : i32
        %dma_wait3A_439 = tpu.memref_slice %arg6[%dma_wait3A_436, %dma_wait3A_437, %dma_wait3A_438] : memref<2x1x128xi32, #tpu.memory_space<vmem>> -> memref<1x1x128xi32, #tpu.memory_space<vmem>>
        %dma_wait3A_440 = tpu.memref_squeeze %dma_wait3A_439 : memref<1x1x128xi32, #tpu.memory_space<vmem>> -> memref<1x128xi32, #tpu.memory_space<vmem>>
        %dma_wait3A_441 = arith.constant 0 : i32
        %dma_wait3A_442 = tpu.memref_slice %arg3[%mul3A_435, %dma_wait3A_441] : memref<3136x128xi32, #tpu.memory_space<hbm>> -> memref<1x128xi32, #tpu.memory_space<hbm>>
        %dma_wait3A_443 = arith.constant 0 : i32
        %dma_wait3A_444 = arith.constant 0 : i32
        %dma_wait3A_445 = tpu.memref_slice %arg6[%dma_wait3A_436, %dma_wait3A_443, %dma_wait3A_444] : memref<2x1x128xi32, #tpu.memory_space<vmem>> -> memref<1x1x128xi32, #tpu.memory_space<vmem>>
        %dma_wait3A_446 = tpu.memref_squeeze %dma_wait3A_445 : memref<1x1x128xi32, #tpu.memory_space<vmem>> -> memref<1x128xi32, #tpu.memory_space<vmem>>
        %dma_wait3A_447 = arith.constant 0 : i32
        %dma_wait3A_448 = tpu.memref_slice %arg3[%mul3A_435, %dma_wait3A_447] : memref<3136x128xi32, #tpu.memory_space<hbm>> -> memref<1x128xi32, #tpu.memory_space<hbm>>
        tpu.wait_dma2 semaphore(%arg9 : memref<!tpu.dma_semaphore, #tpu.memory_space<semaphore_mem>>) src(%dma_wait3A_448 : memref<1x128xi32, #tpu.memory_space<hbm>>) dst(%dma_wait3A_446 : memref<1x128xi32, #tpu.memory_space<vmem>>)
        %ge3A = arith.constant 1 : i32
        %ge3A_449 = arith.cmpi sge, %add3A_281, %ge3A : i32
        %convert_element_type3A_450 = arith.extui %ge3A_449 : i1 to i32
        %cond3A_451 = arith.constant 0 : i32
        %cond3A_452 = arith.cmpi ne, %convert_element_type3A_450, %cond3A_451 : i32
        scf.if %cond3A_452 {
          %sub3A_466 = arith.constant 1 : i32
          %sub3A_467 = arith.subi %add3A_282, %sub3A_466 : i32
          %mul3A_468 = arith.constant 128 : i32
          %mul3A_469 = arith.muli %sub3A_467, %mul3A_468 : i32
          %dma_wait3A_470 = arith.constant 0 : i32
          %dma_wait3A_471 = arith.constant 0 : i32
          %dma_wait3A_472 = arith.constant 0 : i32
          %dma_wait3A_473 = tpu.memref_slice %arg8[%dma_wait3A_470, %dma_wait3A_471, %dma_wait3A_472] : memref<2x128x128xf32, #tpu.memory_space<vmem>> -> memref<1x128x128xf32, #tpu.memory_space<vmem>>
          %dma_wait3A_474 = tpu.memref_squeeze %dma_wait3A_473 : memref<1x128x128xf32, #tpu.memory_space<vmem>> -> memref<128x128xf32, #tpu.memory_space<vmem>>
          %dma_wait3A_475 = arith.constant 0 : i32
          %dma_wait3A_476 = tpu.memref_slice %arg5[%mul3A_469, %dma_wait3A_475] : memref<401408x128xf32, #tpu.memory_space<hbm>> -> memref<128x128xf32, #tpu.memory_space<hbm>>
          %dma_wait3A_477 = arith.constant 0 : i32
          %dma_wait3A_478 = tpu.memref_slice %arg5[%mul3A_469, %dma_wait3A_477] : memref<401408x128xf32, #tpu.memory_space<hbm>> -> memref<128x128xf32, #tpu.memory_space<hbm>>
          %dma_wait3A_479 = arith.constant 0 : i32
          %dma_wait3A_480 = arith.constant 0 : i32
          %dma_wait3A_481 = tpu.memref_slice %arg8[%dma_wait3A_470, %dma_wait3A_479, %dma_wait3A_480] : memref<2x128x128xf32, #tpu.memory_space<vmem>> -> memref<1x128x128xf32, #tpu.memory_space<vmem>>
          %dma_wait3A_482 = tpu.memref_squeeze %dma_wait3A_481 : memref<1x128x128xf32, #tpu.memory_space<vmem>> -> memref<128x128xf32, #tpu.memory_space<vmem>>
          tpu.wait_dma2 semaphore(%arg13 : memref<!tpu.dma_semaphore, #tpu.memory_space<semaphore_mem>>) src(%dma_wait3A_482 : memref<128x128xf32, #tpu.memory_space<vmem>>) dst(%dma_wait3A_478 : memref<128x128xf32, #tpu.memory_space<hbm>>)
        } else {
        }
        %dma_start3A_453 = arith.constant 0 : i32
        %dma_start3A_454 = arith.constant 0 : i32
        %dma_start3A_455 = arith.constant 0 : i32
        %dma_start3A_456 = arith.constant 0 : i32
        %dma_start3A_457 = arith.constant 0 : i32
        %dma_start3A_458 = tpu.memref_slice %arg8[%dma_start3A_455, %dma_start3A_456, %dma_start3A_457] : memref<2x128x128xf32, #tpu.memory_space<vmem>> -> memref<1x128x128xf32, #tpu.memory_space<vmem>>
        %dma_start3A_459 = tpu.memref_squeeze %dma_start3A_458 : memref<1x128x128xf32, #tpu.memory_space<vmem>> -> memref<128x128xf32, #tpu.memory_space<vmem>>
        %dma_start3A_460 = arith.constant 0 : i32
        %dma_start3A_461 = tpu.memref_slice %arg6[%dma_start3A_453, %dma_start3A_454, %dma_start3A_460] : memref<2x1x128xi32, #tpu.memory_space<vmem>> -> memref<1x1x128xi32, #tpu.memory_space<vmem>>
        %dma_start3A_462 = tpu.memref_squeeze %dma_start3A_461 : memref<1x1x128xi32, #tpu.memory_space<vmem>> -> memref<128xi32, #tpu.memory_space<vmem>>
        %dma_start3A_463 = arith.constant 0 : i32
        %dma_start3A_464 = arith.constant 0 : i32
        %dma_start3A_465 = tpu.memref_slice %arg2[%dma_start3A_463, %dma_start3A_464] : memref<50000x128xf32, #tpu.memory_space<hbm>> -> memref<50000x128xf32, #tpu.memory_space<hbm>>
        tpu.enqueue_indirect_dma source(%dma_start3A_465 : memref<50000x128xf32, #tpu.memory_space<hbm>>) target(%dma_start3A_459 : memref<128x128xf32, #tpu.memory_space<vmem>>) offsets(%dma_start3A_462 : memref<128xi32, #tpu.memory_space<vmem>>) semaphore(%arg15 : memref<!tpu.dma_semaphore, #tpu.memory_space<semaphore_mem>>)
      } else {
      }
      %dma_wait3A_290 = arith.constant 1 : i32
      %dma_wait3A_291 = arith.constant 0 : i32
      %dma_wait3A_292 = arith.constant 1 : i32
      %dma_wait3A_293 = arith.constant 0 : i32
      %dma_wait3A_294 = arith.constant 0 : i32
      %dma_wait3A_295 = tpu.memref_slice %arg8[%dma_wait3A_292, %dma_wait3A_293, %dma_wait3A_294] : memref<2x128x128xf32, #tpu.memory_space<vmem>> -> memref<1x128x128xf32, #tpu.memory_space<vmem>>
      %dma_wait3A_296 = tpu.memref_squeeze %dma_wait3A_295 : memref<1x128x128xf32, #tpu.memory_space<vmem>> -> memref<128x128xf32, #tpu.memory_space<vmem>>
      %dma_wait3A_297 = arith.constant 0 : i32
      %dma_wait3A_298 = tpu.memref_slice %arg6[%dma_wait3A_290, %dma_wait3A_291, %dma_wait3A_297] : memref<2x1x128xi32, #tpu.memory_space<vmem>> -> memref<1x1x128xi32, #tpu.memory_space<vmem>>
      %dma_wait3A_299 = tpu.memref_squeeze %dma_wait3A_298 : memref<1x1x128xi32, #tpu.memory_space<vmem>> -> memref<128xi32, #tpu.memory_space<vmem>>
      %dma_wait3A_300 = arith.constant 0 : i32
      %dma_wait3A_301 = arith.constant 0 : i32
      %dma_wait3A_302 = tpu.memref_slice %arg2[%dma_wait3A_300, %dma_wait3A_301] : memref<50000x128xf32, #tpu.memory_space<hbm>> -> memref<50000x128xf32, #tpu.memory_space<hbm>>
      tpu.wait_indirect_dma semaphore(%arg16 : memref<!tpu.dma_semaphore, #tpu.memory_space<semaphore_mem>>) src(%dma_wait3A_302 : memref<50000x128xf32, #tpu.memory_space<hbm>>) dst(%dma_wait3A_296 : memref<128x128xf32, #tpu.memory_space<vmem>>)
      %mul3A_303 = arith.constant 128 : i32
      %mul3A_304 = arith.muli %add3A_282, %mul3A_303 : i32
      %dma_wait3A_305 = arith.constant 1 : i32
      %dma_wait3A_306 = arith.constant 0 : i32
      %dma_wait3A_307 = tpu.memref_slice %arg7[%dma_wait3A_305, %dma_wait3A_306] : memref<2x128xf32, #tpu.memory_space<vmem>> -> memref<1x128xf32, #tpu.memory_space<vmem>>
      %dma_wait3A_308 = tpu.memref_squeeze %dma_wait3A_307 : memref<1x128xf32, #tpu.memory_space<vmem>> -> memref<128xf32, #tpu.memory_space<vmem>>
      %dma_wait3A_309 = tpu.memref_slice %arg4[%mul3A_304] : memref<401408xf32, #tpu.memory_space<hbm>> -> memref<128xf32, #tpu.memory_space<hbm>>
      %dma_wait3A_310 = arith.constant 0 : i32
      %dma_wait3A_311 = tpu.memref_slice %arg7[%dma_wait3A_305, %dma_wait3A_310] : memref<2x128xf32, #tpu.memory_space<vmem>> -> memref<1x128xf32, #tpu.memory_space<vmem>>
      %dma_wait3A_312 = tpu.memref_squeeze %dma_wait3A_311 : memref<1x128xf32, #tpu.memory_space<vmem>> -> memref<128xf32, #tpu.memory_space<vmem>>
      %dma_wait3A_313 = tpu.memref_slice %arg4[%mul3A_304] : memref<401408xf32, #tpu.memory_space<hbm>> -> memref<128xf32, #tpu.memory_space<hbm>>
      tpu.wait_dma2 semaphore(%arg12 : memref<!tpu.dma_semaphore, #tpu.memory_space<semaphore_mem>>) src(%dma_wait3A_313 : memref<128xf32, #tpu.memory_space<hbm>>) dst(%dma_wait3A_312 : memref<128xf32, #tpu.memory_space<vmem>>)
      %get3A_314 = arith.constant 1 : i32
      %get3A_315 = arith.index_cast %get3A_314 : i32 to index
      %get3A_316 = arith.constant 0 : index
      %get3A_317 = tpu.vector_load %arg7[%get3A_315, %get3A_316] {strides = array<i32>} : memref<2x128xf32, #tpu.memory_space<vmem>>, vector<16xf32>,
      %add3A_318 = arith.constant 0 : i32
      %add3A_319 = vector.broadcast %add3A_318 : i32 to vector<16xi32>
      %add3A_320 = arith.addi %add3A_319, %iota3A : vector<16xi32>
      %scatter3A_321 = arith.constant 1 : i32
      %scatter3A_322 = arith.constant 0 : i32
      %scatter3A_323 = arith.constant 0 : i32
      %scatter3A_324 = tpu.memref_slice %arg8[%scatter3A_321, %scatter3A_322, %scatter3A_323] : memref<2x128x128xf32, #tpu.memory_space<vmem>> -> memref<1x128x128xf32, #tpu.memory_space<vmem>>
      %scatter3A_325 = tpu.memref_squeeze %scatter3A_324 : memref<1x128x128xf32, #tpu.memory_space<vmem>> -> memref<128x128xf32, #tpu.memory_space<vmem>>
      tpu.vector_store_idx %scatter3A_325[%add3A_320, %broadcast_in_dim3A_3], %get3A_317 : memref<128x128xf32, #tpu.memory_space<vmem>>[vector<16xi32>, vector<16xi32>], vector<16xf32>,
      %get3A_326 = arith.constant 1 : i32
      %get3A_327 = arith.index_cast %get3A_326 : i32 to index
      %get3A_328 = arith.constant 16 : index
      %get3A_329 = tpu.vector_load %arg7[%get3A_327, %get3A_328] {strides = array<i32>} : memref<2x128xf32, #tpu.memory_space<vmem>>, vector<16xf32>,
      %add3A_330 = arith.constant 16 : i32
      %add3A_331 = vector.broadcast %add3A_330 : i32 to vector<16xi32>
      %add3A_332 = arith.addi %add3A_331, %iota3A : vector<16xi32>
      %scatter3A_333 = arith.constant 1 : i32
      %scatter3A_334 = arith.constant 0 : i32
      %scatter3A_335 = arith.constant 0 : i32
      %scatter3A_336 = tpu.memref_slice %arg8[%scatter3A_333, %scatter3A_334, %scatter3A_335] : memref<2x128x128xf32, #tpu.memory_space<vmem>> -> memref<1x128x128xf32, #tpu.memory_space<vmem>>
      %scatter3A_337 = tpu.memref_squeeze %scatter3A_336 : memref<1x128x128xf32, #tpu.memory_space<vmem>> -> memref<128x128xf32, #tpu.memory_space<vmem>>
      tpu.vector_store_idx %scatter3A_337[%add3A_332, %broadcast_in_dim3A_3], %get3A_329 : memref<128x128xf32, #tpu.memory_space<vmem>>[vector<16xi32>, vector<16xi32>], vector<16xf32>,
      %get3A_338 = arith.constant 1 : i32
      %get3A_339 = arith.index_cast %get3A_338 : i32 to index
      %get3A_340 = arith.constant 32 : index
      %get3A_341 = tpu.vector_load %arg7[%get3A_339, %get3A_340] {strides = array<i32>} : memref<2x128xf32, #tpu.memory_space<vmem>>, vector<16xf32>,
      %add3A_342 = arith.constant 32 : i32
      %add3A_343 = vector.broadcast %add3A_342 : i32 to vector<16xi32>
      %add3A_344 = arith.addi %add3A_343, %iota3A : vector<16xi32>
      %scatter3A_345 = arith.constant 1 : i32
      %scatter3A_346 = arith.constant 0 : i32
      %scatter3A_347 = arith.constant 0 : i32
      %scatter3A_348 = tpu.memref_slice %arg8[%scatter3A_345, %scatter3A_346, %scatter3A_347] : memref<2x128x128xf32, #tpu.memory_space<vmem>> -> memref<1x128x128xf32, #tpu.memory_space<vmem>>
      %scatter3A_349 = tpu.memref_squeeze %scatter3A_348 : memref<1x128x128xf32, #tpu.memory_space<vmem>> -> memref<128x128xf32, #tpu.memory_space<vmem>>
      tpu.vector_store_idx %scatter3A_349[%add3A_344, %broadcast_in_dim3A_3], %get3A_341 : memref<128x128xf32, #tpu.memory_space<vmem>>[vector<16xi32>, vector<16xi32>], vector<16xf32>,
      %get3A_350 = arith.constant 1 : i32
      %get3A_351 = arith.index_cast %get3A_350 : i32 to index
      %get3A_352 = arith.constant 48 : index
      %get3A_353 = tpu.vector_load %arg7[%get3A_351, %get3A_352] {strides = array<i32>} : memref<2x128xf32, #tpu.memory_space<vmem>>, vector<16xf32>,
      %add3A_354 = arith.constant 48 : i32
      %add3A_355 = vector.broadcast %add3A_354 : i32 to vector<16xi32>
      %add3A_356 = arith.addi %add3A_355, %iota3A : vector<16xi32>
      %scatter3A_357 = arith.constant 1 : i32
      %scatter3A_358 = arith.constant 0 : i32
      %scatter3A_359 = arith.constant 0 : i32
      %scatter3A_360 = tpu.memref_slice %arg8[%scatter3A_357, %scatter3A_358, %scatter3A_359] : memref<2x128x128xf32, #tpu.memory_space<vmem>> -> memref<1x128x128xf32, #tpu.memory_space<vmem>>
      %scatter3A_361 = tpu.memref_squeeze %scatter3A_360 : memref<1x128x128xf32, #tpu.memory_space<vmem>> -> memref<128x128xf32, #tpu.memory_space<vmem>>
      tpu.vector_store_idx %scatter3A_361[%add3A_356, %broadcast_in_dim3A_3], %get3A_353 : memref<128x128xf32, #tpu.memory_space<vmem>>[vector<16xi32>, vector<16xi32>], vector<16xf32>,
      %get3A_362 = arith.constant 1 : i32
      %get3A_363 = arith.index_cast %get3A_362 : i32 to index
      %get3A_364 = arith.constant 64 : index
      %get3A_365 = tpu.vector_load %arg7[%get3A_363, %get3A_364] {strides = array<i32>} : memref<2x128xf32, #tpu.memory_space<vmem>>, vector<16xf32>,
      %add3A_366 = arith.constant 64 : i32
      %add3A_367 = vector.broadcast %add3A_366 : i32 to vector<16xi32>
      %add3A_368 = arith.addi %add3A_367, %iota3A : vector<16xi32>
      %scatter3A_369 = arith.constant 1 : i32
      %scatter3A_370 = arith.constant 0 : i32
      %scatter3A_371 = arith.constant 0 : i32
      %scatter3A_372 = tpu.memref_slice %arg8[%scatter3A_369, %scatter3A_370, %scatter3A_371] : memref<2x128x128xf32, #tpu.memory_space<vmem>> -> memref<1x128x128xf32, #tpu.memory_space<vmem>>
      %scatter3A_373 = tpu.memref_squeeze %scatter3A_372 : memref<1x128x128xf32, #tpu.memory_space<vmem>> -> memref<128x128xf32, #tpu.memory_space<vmem>>
      tpu.vector_store_idx %scatter3A_373[%add3A_368, %broadcast_in_dim3A_3], %get3A_365 : memref<128x128xf32, #tpu.memory_space<vmem>>[vector<16xi32>, vector<16xi32>], vector<16xf32>,
      %get3A_374 = arith.constant 1 : i32
      %get3A_375 = arith.index_cast %get3A_374 : i32 to index
      %get3A_376 = arith.constant 80 : index
      %get3A_377 = tpu.vector_load %arg7[%get3A_375, %get3A_376] {strides = array<i32>} : memref<2x128xf32, #tpu.memory_space<vmem>>, vector<16xf32>,
      %add3A_378 = arith.constant 80 : i32
      %add3A_379 = vector.broadcast %add3A_378 : i32 to vector<16xi32>
      %add3A_380 = arith.addi %add3A_379, %iota3A : vector<16xi32>
      %scatter3A_381 = arith.constant 1 : i32
      %scatter3A_382 = arith.constant 0 : i32
      %scatter3A_383 = arith.constant 0 : i32
      %scatter3A_384 = tpu.memref_slice %arg8[%scatter3A_381, %scatter3A_382, %scatter3A_383] : memref<2x128x128xf32, #tpu.memory_space<vmem>> -> memref<1x128x128xf32, #tpu.memory_space<vmem>>
      %scatter3A_385 = tpu.memref_squeeze %scatter3A_384 : memref<1x128x128xf32, #tpu.memory_space<vmem>> -> memref<128x128xf32, #tpu.memory_space<vmem>>
      tpu.vector_store_idx %scatter3A_385[%add3A_380, %broadcast_in_dim3A_3], %get3A_377 : memref<128x128xf32, #tpu.memory_space<vmem>>[vector<16xi32>, vector<16xi32>], vector<16xf32>,
      %get3A_386 = arith.constant 1 : i32
      %get3A_387 = arith.index_cast %get3A_386 : i32 to index
      %get3A_388 = arith.constant 96 : index
      %get3A_389 = tpu.vector_load %arg7[%get3A_387, %get3A_388] {strides = array<i32>} : memref<2x128xf32, #tpu.memory_space<vmem>>, vector<16xf32>,
      %add3A_390 = arith.constant 96 : i32
      %add3A_391 = vector.broadcast %add3A_390 : i32 to vector<16xi32>
      %add3A_392 = arith.addi %add3A_391, %iota3A : vector<16xi32>
      %scatter3A_393 = arith.constant 1 : i32
      %scatter3A_394 = arith.constant 0 : i32
      %scatter3A_395 = arith.constant 0 : i32
      %scatter3A_396 = tpu.memref_slice %arg8[%scatter3A_393, %scatter3A_394, %scatter3A_395] : memref<2x128x128xf32, #tpu.memory_space<vmem>> -> memref<1x128x128xf32, #tpu.memory_space<vmem>>
      %scatter3A_397 = tpu.memref_squeeze %scatter3A_396 : memref<1x128x128xf32, #tpu.memory_space<vmem>> -> memref<128x128xf32, #tpu.memory_space<vmem>>
      tpu.vector_store_idx %scatter3A_397[%add3A_392, %broadcast_in_dim3A_3], %get3A_389 : memref<128x128xf32, #tpu.memory_space<vmem>>[vector<16xi32>, vector<16xi32>], vector<16xf32>,
      %get3A_398 = arith.constant 1 : i32
      %get3A_399 = arith.index_cast %get3A_398 : i32 to index
      %get3A_400 = arith.constant 112 : index
      %get3A_401 = tpu.vector_load %arg7[%get3A_399, %get3A_400] {strides = array<i32>} : memref<2x128xf32, #tpu.memory_space<vmem>>, vector<16xf32>,
      %add3A_402 = arith.constant 112 : i32
      %add3A_403 = vector.broadcast %add3A_402 : i32 to vector<16xi32>
      %add3A_404 = arith.addi %add3A_403, %iota3A : vector<16xi32>
      %scatter3A_405 = arith.constant 1 : i32
      %scatter3A_406 = arith.constant 0 : i32
      %scatter3A_407 = arith.constant 0 : i32
      %scatter3A_408 = tpu.memref_slice %arg8[%scatter3A_405, %scatter3A_406, %scatter3A_407] : memref<2x128x128xf32, #tpu.memory_space<vmem>> -> memref<1x128x128xf32, #tpu.memory_space<vmem>>
      %scatter3A_409 = tpu.memref_squeeze %scatter3A_408 : memref<1x128x128xf32, #tpu.memory_space<vmem>> -> memref<128x128xf32, #tpu.memory_space<vmem>>
      tpu.vector_store_idx %scatter3A_409[%add3A_404, %broadcast_in_dim3A_3], %get3A_401 : memref<128x128xf32, #tpu.memory_space<vmem>>[vector<16xi32>, vector<16xi32>], vector<16xf32>,
      %mul3A_410 = arith.constant 128 : i32
      %mul3A_411 = arith.muli %add3A_282, %mul3A_410 : i32
      %dma_start3A_412 = arith.constant 1 : i32
      %dma_start3A_413 = arith.constant 0 : i32
      %dma_start3A_414 = arith.constant 0 : i32
      %dma_start3A_415 = tpu.memref_slice %arg8[%dma_start3A_412, %dma_start3A_413, %dma_start3A_414] : memref<2x128x128xf32, #tpu.memory_space<vmem>> -> memref<1x128x128xf32, #tpu.memory_space<vmem>>
      %dma_start3A_416 = tpu.memref_squeeze %dma_start3A_415 : memref<1x128x128xf32, #tpu.memory_space<vmem>> -> memref<128x128xf32, #tpu.memory_space<vmem>>
      %dma_start3A_417 = arith.constant 0 : i32
      %dma_start3A_418 = tpu.memref_slice %arg5[%mul3A_411, %dma_start3A_417] : memref<401408x128xf32, #tpu.memory_space<hbm>> -> memref<128x128xf32, #tpu.memory_space<hbm>>
      %dma_start3A_419 = arith.constant 0 : i32
      %dma_start3A_420 = tpu.memref_slice %arg5[%mul3A_411, %dma_start3A_419] : memref<401408x128xf32, #tpu.memory_space<hbm>> -> memref<128x128xf32, #tpu.memory_space<hbm>>
      %dma_start3A_421 = arith.constant 0 : i32
      %dma_start3A_422 = arith.constant 0 : i32
      %dma_start3A_423 = tpu.memref_slice %arg8[%dma_start3A_412, %dma_start3A_421, %dma_start3A_422] : memref<2x128x128xf32, #tpu.memory_space<vmem>> -> memref<1x128x128xf32, #tpu.memory_space<vmem>>
      %dma_start3A_424 = tpu.memref_squeeze %dma_start3A_423 : memref<1x128x128xf32, #tpu.memory_space<vmem>> -> memref<128x128xf32, #tpu.memory_space<vmem>>
      tpu.enqueue_dma source(%dma_start3A_424 : memref<128x128xf32, #tpu.memory_space<vmem>>) target(%dma_start3A_420 : memref<128x128xf32, #tpu.memory_space<hbm>>) target_semaphore(%arg14 : memref<!tpu.dma_semaphore, #tpu.memory_space<semaphore_mem>>)
      %add3A_425 = arith.constant 2 : i32
      %add3A_426 = arith.addi %add3A_281, %add3A_425 : i32
      %lt3A_427 = arith.constant 98 : i32
      %lt3A_428 = arith.cmpi slt, %add3A_426, %lt3A_427 : i32
      %convert_element_type3A_429 = arith.extui %lt3A_428 : i1 to i32
      %cond3A_430 = arith.constant 0 : i32
      %cond3A_431 = arith.cmpi ne, %convert_element_type3A_429, %cond3A_430 : i32
      scf.if %cond3A_431 {
        %add3A_432 = arith.constant 2 : i32
        %add3A_433 = arith.addi %add3A_282, %add3A_432 : i32
        %mul3A_434 = arith.constant 1 : i32
        %mul3A_435 = arith.muli %add3A_433, %mul3A_434 : i32
        %dma_start3A_436 = arith.constant 1 : i32
        %dma_start3A_437 = arith.constant 0 : i32
        %dma_start3A_438 = arith.constant 0 : i32
        %dma_start3A_439 = tpu.memref_slice %arg6[%dma_start3A_436, %dma_start3A_437, %dma_start3A_438] : memref<2x1x128xi32, #tpu.memory_space<vmem>> -> memref<1x1x128xi32, #tpu.memory_space<vmem>>
        %dma_start3A_440 = tpu.memref_squeeze %dma_start3A_439 : memref<1x1x128xi32, #tpu.memory_space<vmem>> -> memref<1x128xi32, #tpu.memory_space<vmem>>
        %dma_start3A_441 = arith.constant 0 : i32
        %dma_start3A_442 = tpu.memref_slice %arg3[%mul3A_435, %dma_start3A_441] : memref<3136x128xi32, #tpu.memory_space<hbm>> -> memref<1x128xi32, #tpu.memory_space<hbm>>
        %dma_start3A_443 = arith.constant 0 : i32
        %dma_start3A_444 = arith.constant 0 : i32
        %dma_start3A_445 = tpu.memref_slice %arg6[%dma_start3A_436, %dma_start3A_443, %dma_start3A_444] : memref<2x1x128xi32, #tpu.memory_space<vmem>> -> memref<1x1x128xi32, #tpu.memory_space<vmem>>
        %dma_start3A_446 = tpu.memref_squeeze %dma_start3A_445 : memref<1x1x128xi32, #tpu.memory_space<vmem>> -> memref<1x128xi32, #tpu.memory_space<vmem>>
        %dma_start3A_447 = arith.constant 0 : i32
        %dma_start3A_448 = tpu.memref_slice %arg3[%mul3A_435, %dma_start3A_447] : memref<3136x128xi32, #tpu.memory_space<hbm>> -> memref<1x128xi32, #tpu.memory_space<hbm>>
        tpu.enqueue_dma source(%dma_start3A_448 : memref<1x128xi32, #tpu.memory_space<hbm>>) target(%dma_start3A_446 : memref<1x128xi32, #tpu.memory_space<vmem>>) target_semaphore(%arg10 : memref<!tpu.dma_semaphore, #tpu.memory_space<semaphore_mem>>)
        %add3A_449 = arith.constant 2 : i32
        %add3A_450 = arith.addi %add3A_282, %add3A_449 : i32
        %mul3A_451 = arith.constant 128 : i32
        %mul3A_452 = arith.muli %add3A_450, %mul3A_451 : i32
        %dma_start3A_453 = arith.constant 1 : i32
        %dma_start3A_454 = arith.constant 0 : i32
        %dma_start3A_455 = tpu.memref_slice %arg7[%dma_start3A_453, %dma_start3A_454] : memref<2x128xf32, #tpu.memory_space<vmem>> -> memref<1x128xf32, #tpu.memory_space<vmem>>
        %dma_start3A_456 = tpu.memref_squeeze %dma_start3A_455 : memref<1x128xf32, #tpu.memory_space<vmem>> -> memref<128xf32, #tpu.memory_space<vmem>>
        %dma_start3A_457 = tpu.memref_slice %arg4[%mul3A_452] : memref<401408xf32, #tpu.memory_space<hbm>> -> memref<128xf32, #tpu.memory_space<hbm>>
        %dma_start3A_458 = arith.constant 0 : i32
        %dma_start3A_459 = tpu.memref_slice %arg7[%dma_start3A_453, %dma_start3A_458] : memref<2x128xf32, #tpu.memory_space<vmem>> -> memref<1x128xf32, #tpu.memory_space<vmem>>
        %dma_start3A_460 = tpu.memref_squeeze %dma_start3A_459 : memref<1x128xf32, #tpu.memory_space<vmem>> -> memref<128xf32, #tpu.memory_space<vmem>>
        %dma_start3A_461 = tpu.memref_slice %arg4[%mul3A_452] : memref<401408xf32, #tpu.memory_space<hbm>> -> memref<128xf32, #tpu.memory_space<hbm>>
        tpu.enqueue_dma source(%dma_start3A_461 : memref<128xf32, #tpu.memory_space<hbm>>) target(%dma_start3A_460 : memref<128xf32, #tpu.memory_space<vmem>>) target_semaphore(%arg12 : memref<!tpu.dma_semaphore, #tpu.memory_space<semaphore_mem>>)
      } else {
      }
    }
    %scan3A_90 = arith.constant 49 : i32
    %add3A_91 = arith.constant 98 : i32
    %add3A_92 = arith.addi %mul3A_2, %add3A_91 : i32
    %sub3A = arith.constant 2 : i32
    %sub3A_93 = arith.subi %add3A_92, %sub3A : i32
    %mul3A_94 = arith.constant 128 : i32
    %mul3A_95 = arith.muli %sub3A_93, %mul3A_94 : i32
    %dma_wait3A_96 = arith.constant 0 : i32
    %dma_wait3A_97 = arith.constant 0 : i32
    %dma_wait3A_98 = arith.constant 0 : i32
    %dma_wait3A_99 = tpu.memref_slice %arg8[%dma_wait3A_96, %dma_wait3A_97, %dma_wait3A_98] : memref<2x128x128xf32, #tpu.memory_space<vmem>> -> memref<1x128x128xf32, #tpu.memory_space<vmem>>
    %dma_wait3A_100 = tpu.memref_squeeze %dma_wait3A_99 : memref<1x128x128xf32, #tpu.memory_space<vmem>> -> memref<128x128xf32, #tpu.memory_space<vmem>>
    %dma_wait3A_101 = arith.constant 0 : i32
    %dma_wait3A_102 = tpu.memref_slice %arg5[%mul3A_95, %dma_wait3A_101] : memref<401408x128xf32, #tpu.memory_space<hbm>> -> memref<128x128xf32, #tpu.memory_space<hbm>>
    %dma_wait3A_103 = arith.constant 0 : i32
    %dma_wait3A_104 = tpu.memref_slice %arg5[%mul3A_95, %dma_wait3A_103] : memref<401408x128xf32, #tpu.memory_space<hbm>> -> memref<128x128xf32, #tpu.memory_space<hbm>>
    %dma_wait3A_105 = arith.constant 0 : i32
    %dma_wait3A_106 = arith.constant 0 : i32
    %dma_wait3A_107 = tpu.memref_slice %arg8[%dma_wait3A_96, %dma_wait3A_105, %dma_wait3A_106] : memref<2x128x128xf32, #tpu.memory_space<vmem>> -> memref<1x128x128xf32, #tpu.memory_space<vmem>>
    %dma_wait3A_108 = tpu.memref_squeeze %dma_wait3A_107 : memref<1x128x128xf32, #tpu.memory_space<vmem>> -> memref<128x128xf32, #tpu.memory_space<vmem>>
    tpu.wait_dma2 semaphore(%arg13 : memref<!tpu.dma_semaphore, #tpu.memory_space<semaphore_mem>>) src(%dma_wait3A_108 : memref<128x128xf32, #tpu.memory_space<vmem>>) dst(%dma_wait3A_104 : memref<128x128xf32, #tpu.memory_space<hbm>>)
    %add3A_109 = arith.constant 98 : i32
    %add3A_110 = arith.addi %mul3A_2, %add3A_109 : i32
    %sub3A_111 = arith.constant 1 : i32
    %sub3A_112 = arith.subi %add3A_110, %sub3A_111 : i32
    %mul3A_113 = arith.constant 128 : i32
    %mul3A_114 = arith.muli %sub3A_112, %mul3A_113 : i32
    %dma_wait3A_115 = arith.constant 1 : i32
    %dma_wait3A_116 = arith.constant 0 : i32
    %dma_wait3A_117 = arith.constant 0 : i32
    %dma_wait3A_118 = tpu.memref_slice %arg8[%dma_wait3A_115, %dma_wait3A_116, %dma_wait3A_117] : memref<2x128x128xf32, #tpu.memory_space<vmem>> -> memref<1x128x128xf32, #tpu.memory_space<vmem>>
    %dma_wait3A_119 = tpu.memref_squeeze %dma_wait3A_118 : memref<1x128x128xf32, #tpu.memory_space<vmem>> -> memref<128x128xf32, #tpu.memory_space<vmem>>
    %dma_wait3A_120 = arith.constant 0 : i32
    %dma_wait3A_121 = tpu.memref_slice %arg5[%mul3A_114, %dma_wait3A_120] : memref<401408x128xf32, #tpu.memory_space<hbm>> -> memref<128x128xf32, #tpu.memory_space<hbm>>
    %dma_wait3A_122 = arith.constant 0 : i32
    %dma_wait3A_123 = tpu.memref_slice %arg5[%mul3A_114, %dma_wait3A_122] : memref<401408x128xf32, #tpu.memory_space<hbm>> -> memref<128x128xf32, #tpu.memory_space<hbm>>
    %dma_wait3A_124 = arith.constant 0 : i32
    %dma_wait3A_125 = arith.constant 0 : i32
    %dma_wait3A_126 = tpu.memref_slice %arg8[%dma_wait3A_115, %dma_wait3A_124, %dma_wait3A_125] : memref<2x128x128xf32, #tpu.memory_space<vmem>> -> memref<1x128x128xf32, #tpu.memory_space<vmem>>
    %dma_wait3A_127 = tpu.memref_squeeze %dma_wait3A_126 : memref<1x128x128xf32, #tpu.memory_space<vmem>> -> memref<128x128xf32, #tpu.memory_space<vmem>>
    tpu.wait_dma2 semaphore(%arg14 : memref<!tpu.dma_semaphore, #tpu.memory_space<semaphore_mem>>) src(%dma_wait3A_127 : memref<128x128xf32, #tpu.memory_space<vmem>>) dst(%dma_wait3A_123 : memref<128x128xf32, #tpu.memory_space<hbm>>)
    return
  }
}

module attributes {stable_mosaic.version = 14 : i64} {
  func.func @body(%arg0: i32, %arg1: memref<16000x128xf32, #tpu.memory_space<vmem>>, %arg2: memref<1000x3xf32, #tpu.memory_space<vmem>>, %arg3: memref<1000x64xf32, #tpu.memory_space<vmem>>, %arg4: memref<128x32xf32, #tpu.memory_space<vmem>>, %arg5: memref<3x32xf32, #tpu.memory_space<vmem>>, %arg6: memref<1x32xf32, #tpu.memory_space<vmem>>, %arg7: memref<32x128xf32, #tpu.memory_space<vmem>>, %arg8: memref<1x128xf32, #tpu.memory_space<vmem>>, %arg9: memref<128x64xf32, #tpu.memory_space<vmem>>, %arg10: memref<3x64xf32, #tpu.memory_space<vmem>>, %arg11: memref<1x64xf32, #tpu.memory_space<vmem>>, %arg12: memref<64x64xf32, #tpu.memory_space<vmem>>, %arg13: memref<64x64xf32, #tpu.memory_space<vmem>>, %arg14: memref<1x64xf32, #tpu.memory_space<vmem>>, %arg15: memref<1000x64xf32, #tpu.memory_space<vmem>>) attributes {dimension_semantics = [#tpu.dimension_semantics<arbitrary>], iteration_bounds = array<i64: 25>, scalar_prefetch = 0 : i64, scratch_operands = 0 : i64, tpu.core_type = #tpu.core_type<tc>, window_params = [{transform_indices = @transform_0, window_bounds = array<i64: 16000, 128>}, {transform_indices = @transform_1, window_bounds = array<i64: 1000, 3>}, {transform_indices = @transform_2, window_bounds = array<i64: 1000, 64>}, {pipeline_mode = #tpu.pipeline_mode<synchronous>, transform_indices = @transform_3, window_bounds = array<i64: 128, 32>}, {pipeline_mode = #tpu.pipeline_mode<synchronous>, transform_indices = @transform_4, window_bounds = array<i64: 3, 32>}, {pipeline_mode = #tpu.pipeline_mode<synchronous>, transform_indices = @transform_5, window_bounds = array<i64: 1, 32>}, {pipeline_mode = #tpu.pipeline_mode<synchronous>, transform_indices = @transform_6, window_bounds = array<i64: 32, 128>}, {pipeline_mode = #tpu.pipeline_mode<synchronous>, transform_indices = @transform_7, window_bounds = array<i64: 1, 128>}, {pipeline_mode = #tpu.pipeline_mode<synchronous>, transform_indices = @transform_8, window_bounds = array<i64: 128, 64>}, {pipeline_mode = #tpu.pipeline_mode<synchronous>, transform_indices = @transform_9, window_bounds = array<i64: 3, 64>}, {pipeline_mode = #tpu.pipeline_mode<synchronous>, transform_indices = @transform_10, window_bounds = array<i64: 1, 64>}, {pipeline_mode = #tpu.pipeline_mode<synchronous>, transform_indices = @transform_11, window_bounds = array<i64: 64, 64>}, {pipeline_mode = #tpu.pipeline_mode<synchronous>, transform_indices = @transform_12, window_bounds = array<i64: 64, 64>}, {pipeline_mode = #tpu.pipeline_mode<synchronous>, transform_indices = @transform_13, window_bounds = array<i64: 1, 64>}, {transform_indices = @transform_14, window_bounds = array<i64: 1000, 64>}]} {
    %get3A = arith.constant 0 : index
    %get3A_0 = arith.constant 0 : index
    %get3A_1 = vector.load %arg1[%get3A, %get3A_0] : memref<16000x128xf32, #tpu.memory_space<vmem>>, vector<16000x128xf32>
    %get3A_2 = arith.constant 0 : index
    %get3A_3 = arith.constant 0 : index
    %get3A_4 = vector.load %arg2[%get3A_2, %get3A_3] : memref<1000x3xf32, #tpu.memory_space<vmem>>, vector<1000x3xf32>
    %get3A_5 = arith.constant 0 : index
    %get3A_6 = arith.constant 0 : index
    %get3A_7 = vector.load %arg5[%get3A_5, %get3A_6] : memref<3x32xf32, #tpu.memory_space<vmem>>, vector<3x32xf32>
    %dot_general3A = arith.constant dense<0.000000e+00> : vector<1000x32xf32>
    %dot_general3A_8 = tpu.matmul %get3A_4, %get3A_7, %dot_general3A {dimension_numbers = #tpu.dot_dimension_numbers<[1], [0], [0], [1], [0, 0, 1, 1], [], []>, transpose_lhs_hint = false} : vector<1000x3xf32>, vector<3x32xf32>, vector<1000x32xf32> -> vector<1000x32xf32>
    %get3A_9 = arith.constant 0 : index
    %get3A_10 = arith.constant 0 : index
    %get3A_11 = vector.load %arg6[%get3A_9, %get3A_10] : memref<1x32xf32, #tpu.memory_space<vmem>>, vector<1x32xf32>
    %add3A = vector.broadcast %get3A_11 : vector<1x32xf32> to vector<1000x32xf32>
    %add3A_12 = arith.addf %dot_general3A_8, %add3A : vector<1000x32xf32>
    %get3A_13 = arith.constant 0 : index
    %get3A_14 = arith.constant 0 : index
    %get3A_15 = vector.load %arg4[%get3A_13, %get3A_14] : memref<128x32xf32, #tpu.memory_space<vmem>>, vector<128x32xf32>
    %dot_general3A_16 = arith.constant dense<0.000000e+00> : vector<16000x32xf32>
    %dot_general3A_17 = tpu.matmul %get3A_1, %get3A_15, %dot_general3A_16 {dimension_numbers = #tpu.dot_dimension_numbers<[1], [0], [0], [1], [0, 0, 1, 1], [], []>, transpose_lhs_hint = false} : vector<16000x128xf32>, vector<128x32xf32>, vector<16000x32xf32> -> vector<16000x32xf32>
    %reshape3A = vector.shape_cast %dot_general3A_17 : vector<16000x32xf32> to vector<1000x16x32xf32>
    %broadcast_in_dim3A = vector.shape_cast %add3A_12 : vector<1000x32xf32> to vector<1000x1x32xf32>
    %add3A_18 = vector.broadcast %broadcast_in_dim3A : vector<1000x1x32xf32> to vector<1000x16x32xf32>
    %add3A_19 = arith.addf %reshape3A, %add3A_18 : vector<1000x16x32xf32>
    %max3A = arith.constant 0.000000e+00 : f32
    %max3A_20 = vector.broadcast %max3A : f32 to vector<1000x16x32xf32>
    %max3A_21 = arith.maximumf %add3A_19, %max3A_20 : vector<1000x16x32xf32>
    %reshape3A_22 = vector.shape_cast %max3A_21 : vector<1000x16x32xf32> to vector<16000x32xf32>
    %get3A_23 = arith.constant 0 : index
    %get3A_24 = arith.constant 0 : index
    %get3A_25 = vector.load %arg7[%get3A_23, %get3A_24] : memref<32x128xf32, #tpu.memory_space<vmem>>, vector<32x128xf32>
    %dot_general3A_26 = arith.constant dense<0.000000e+00> : vector<16000x128xf32>
    %dot_general3A_27 = tpu.matmul %reshape3A_22, %get3A_25, %dot_general3A_26 {dimension_numbers = #tpu.dot_dimension_numbers<[1], [0], [0], [1], [0, 0, 1, 1], [], []>, transpose_lhs_hint = false} : vector<16000x32xf32>, vector<32x128xf32>, vector<16000x128xf32> -> vector<16000x128xf32>
    %get3A_28 = arith.constant 0 : index
    %get3A_29 = arith.constant 0 : index
    %get3A_30 = vector.load %arg8[%get3A_28, %get3A_29] : memref<1x128xf32, #tpu.memory_space<vmem>>, vector<1x128xf32>
    %add3A_31 = vector.broadcast %get3A_30 : vector<1x128xf32> to vector<16000x128xf32>
    %add3A_32 = arith.addf %dot_general3A_27, %add3A_31 : vector<16000x128xf32>
    %reshape3A_33 = vector.shape_cast %add3A_32 : vector<16000x128xf32> to vector<1000x16x128xf32>
    %reduce_max3A = arith.constant dense<0xFF800000> : vector<1000x128xf32>
    %reduce_max3A_34 = vector.multi_reduction <maximumf>, %reshape3A_33, %reduce_max3A [1] : vector<1000x16x128xf32> to vector<1000x128xf32>
    %broadcast_in_dim3A_35 = vector.shape_cast %reduce_max3A_34 : vector<1000x128xf32> to vector<1000x1x128xf32>
    %sub3A = vector.broadcast %broadcast_in_dim3A_35 : vector<1000x1x128xf32> to vector<1000x16x128xf32>
    %sub3A_36 = arith.subf %reshape3A_33, %sub3A : vector<1000x16x128xf32>
    %exp3A = math.exp %sub3A_36 : vector<1000x16x128xf32>
    %reduce_sum3A = arith.constant dense<0.000000e+00> : vector<1000x128xf32>
    %reduce_sum3A_37 = vector.multi_reduction <add>, %exp3A, %reduce_sum3A [1] : vector<1000x16x128xf32> to vector<1000x128xf32>
    %broadcast_in_dim3A_38 = vector.shape_cast %reduce_sum3A_37 : vector<1000x128xf32> to vector<1000x1x128xf32>
    %add3A_39 = arith.constant 9.99999993E-9 : f32
    %add3A_40 = vector.broadcast %add3A_39 : f32 to vector<1000x1x128xf32>
    %add3A_41 = arith.addf %broadcast_in_dim3A_38, %add3A_40 : vector<1000x1x128xf32>
    %div3A = vector.broadcast %add3A_41 : vector<1000x1x128xf32> to vector<1000x16x128xf32>
    %div3A_42 = arith.divf %exp3A, %div3A : vector<1000x16x128xf32>
    %reshape3A_43 = vector.shape_cast %get3A_1 : vector<16000x128xf32> to vector<1000x16x128xf32>
    %mul3A = arith.mulf %div3A_42, %reshape3A_43 : vector<1000x16x128xf32>
    %reduce_sum3A_44 = arith.constant dense<0.000000e+00> : vector<1000x128xf32>
    %reduce_sum3A_45 = vector.multi_reduction <add>, %mul3A, %reduce_sum3A_44 [1] : vector<1000x16x128xf32> to vector<1000x128xf32>
    %slice3A = vector.extract_strided_slice %div3A_42 {offsets = [0, 0, 0], sizes = [1000, 16, 3], strides = [1, 1, 1]} : vector<1000x16x128xf32> to vector<1000x16x3xf32>
    %reduce_sum3A_46 = arith.constant dense<0.000000e+00> : vector<1000x3xf32>
    %reduce_sum3A_47 = vector.multi_reduction <add>, %slice3A, %reduce_sum3A_46 [1] : vector<1000x16x3xf32> to vector<1000x3xf32>
    %get3A_48 = arith.constant 0 : index
    %get3A_49 = arith.constant 0 : index
    %get3A_50 = vector.load %arg9[%get3A_48, %get3A_49] : memref<128x64xf32, #tpu.memory_space<vmem>>, vector<128x64xf32>
    %dot_general3A_51 = arith.constant dense<0.000000e+00> : vector<1000x64xf32>
    %dot_general3A_52 = tpu.matmul %reduce_sum3A_45, %get3A_50, %dot_general3A_51 {dimension_numbers = #tpu.dot_dimension_numbers<[1], [0], [0], [1], [0, 0, 1, 1], [], []>, transpose_lhs_hint = false} : vector<1000x128xf32>, vector<128x64xf32>, vector<1000x64xf32> -> vector<1000x64xf32>
    %mul3A_53 = arith.mulf %reduce_sum3A_47, %get3A_4 : vector<1000x3xf32>
    %get3A_54 = arith.constant 0 : index
    %get3A_55 = arith.constant 0 : index
    %get3A_56 = vector.load %arg10[%get3A_54, %get3A_55] : memref<3x64xf32, #tpu.memory_space<vmem>>, vector<3x64xf32>
    %dot_general3A_57 = arith.constant dense<0.000000e+00> : vector<1000x64xf32>
    %dot_general3A_58 = tpu.matmul %mul3A_53, %get3A_56, %dot_general3A_57 {dimension_numbers = #tpu.dot_dimension_numbers<[1], [0], [0], [1], [0, 0, 1, 1], [], []>, transpose_lhs_hint = false} : vector<1000x3xf32>, vector<3x64xf32>, vector<1000x64xf32> -> vector<1000x64xf32>
    %add3A_59 = arith.addf %dot_general3A_52, %dot_general3A_58 : vector<1000x64xf32>
    %get3A_60 = arith.constant 0 : index
    %get3A_61 = arith.constant 0 : index
    %get3A_62 = vector.load %arg11[%get3A_60, %get3A_61] : memref<1x64xf32, #tpu.memory_space<vmem>>, vector<1x64xf32>
    %add3A_63 = vector.broadcast %get3A_62 : vector<1x64xf32> to vector<1000x64xf32>
    %add3A_64 = arith.addf %add3A_59, %add3A_63 : vector<1000x64xf32>
    %max3A_65 = arith.constant 0.000000e+00 : f32
    %max3A_66 = vector.broadcast %max3A_65 : f32 to vector<1000x64xf32>
    %max3A_67 = arith.maximumf %add3A_64, %max3A_66 : vector<1000x64xf32>
    %get3A_68 = arith.constant 0 : index
    %get3A_69 = arith.constant 0 : index
    %get3A_70 = vector.load %arg12[%get3A_68, %get3A_69] : memref<64x64xf32, #tpu.memory_space<vmem>>, vector<64x64xf32>
    %dot_general3A_71 = arith.constant dense<0.000000e+00> : vector<1000x64xf32>
    %dot_general3A_72 = tpu.matmul %max3A_67, %get3A_70, %dot_general3A_71 {dimension_numbers = #tpu.dot_dimension_numbers<[1], [0], [0], [1], [0, 0, 1, 1], [], []>, transpose_lhs_hint = false} : vector<1000x64xf32>, vector<64x64xf32>, vector<1000x64xf32> -> vector<1000x64xf32>
    %get3A_73 = arith.constant 0 : index
    %get3A_74 = arith.constant 0 : index
    %get3A_75 = vector.load %arg3[%get3A_73, %get3A_74] : memref<1000x64xf32, #tpu.memory_space<vmem>>, vector<1000x64xf32>
    %get3A_76 = arith.constant 0 : index
    %get3A_77 = arith.constant 0 : index
    %get3A_78 = vector.load %arg13[%get3A_76, %get3A_77] : memref<64x64xf32, #tpu.memory_space<vmem>>, vector<64x64xf32>
    %dot_general3A_79 = arith.constant dense<0.000000e+00> : vector<1000x64xf32>
    %dot_general3A_80 = tpu.matmul %get3A_75, %get3A_78, %dot_general3A_79 {dimension_numbers = #tpu.dot_dimension_numbers<[1], [0], [0], [1], [0, 0, 1, 1], [], []>, transpose_lhs_hint = false} : vector<1000x64xf32>, vector<64x64xf32>, vector<1000x64xf32> -> vector<1000x64xf32>
    %add3A_81 = arith.addf %dot_general3A_72, %dot_general3A_80 : vector<1000x64xf32>
    %get3A_82 = arith.constant 0 : index
    %get3A_83 = arith.constant 0 : index
    %get3A_84 = vector.load %arg14[%get3A_82, %get3A_83] : memref<1x64xf32, #tpu.memory_space<vmem>>, vector<1x64xf32>
    %add3A_85 = vector.broadcast %get3A_84 : vector<1x64xf32> to vector<1000x64xf32>
    %add3A_86 = arith.addf %add3A_81, %add3A_85 : vector<1000x64xf32>
    %swap3A = arith.constant 0 : index
    %swap3A_87 = arith.constant 0 : index
    %swap3A_88 = vector.load %arg15[%swap3A, %swap3A_87] : memref<1000x64xf32, #tpu.memory_space<vmem>>, vector<1000x64xf32>
    tpu.vector_store %arg15[%swap3A, %swap3A_87], %add3A_86 {strides = array<i32>} : memref<1000x64xf32, #tpu.memory_space<vmem>>, vector<1000x64xf32>,
    return
  }
  func.func @transform_0(%arg0: i32) -> (i32, i32) {
    %c0_i32 = arith.constant 0 : i32
    %c0_i32_0 = arith.constant 0 : i32
    return %arg0, %c0_i32 : i32, i32
  }
  func.func @transform_1(%arg0: i32) -> (i32, i32) {
    %c0_i32 = arith.constant 0 : i32
    %c0_i32_0 = arith.constant 0 : i32
    return %arg0, %c0_i32 : i32, i32
  }
  func.func @transform_2(%arg0: i32) -> (i32, i32) {
    %c0_i32 = arith.constant 0 : i32
    %c0_i32_0 = arith.constant 0 : i32
    return %arg0, %c0_i32 : i32, i32
  }
  func.func @transform_3(%arg0: i32) -> (i32, i32) {
    %c0_i32 = arith.constant 0 : i32
    %c0_i32_0 = arith.constant 0 : i32
    %c0_i32_1 = arith.constant 0 : i32
    return %c0_i32, %c0_i32_0 : i32, i32
  }
  func.func @transform_4(%arg0: i32) -> (i32, i32) {
    %c0_i32 = arith.constant 0 : i32
    %c0_i32_0 = arith.constant 0 : i32
    %c0_i32_1 = arith.constant 0 : i32
    return %c0_i32, %c0_i32_0 : i32, i32
  }
  func.func @transform_5(%arg0: i32) -> (i32, i32) {
    %c0_i32 = arith.constant 0 : i32
    %c0_i32_0 = arith.constant 0 : i32
    %c0_i32_1 = arith.constant 0 : i32
    return %c0_i32, %c0_i32_0 : i32, i32
  }
  func.func @transform_6(%arg0: i32) -> (i32, i32) {
    %c0_i32 = arith.constant 0 : i32
    %c0_i32_0 = arith.constant 0 : i32
    %c0_i32_1 = arith.constant 0 : i32
    return %c0_i32, %c0_i32_0 : i32, i32
  }
  func.func @transform_7(%arg0: i32) -> (i32, i32) {
    %c0_i32 = arith.constant 0 : i32
    %c0_i32_0 = arith.constant 0 : i32
    %c0_i32_1 = arith.constant 0 : i32
    return %c0_i32, %c0_i32_0 : i32, i32
  }
  func.func @transform_8(%arg0: i32) -> (i32, i32) {
    %c0_i32 = arith.constant 0 : i32
    %c0_i32_0 = arith.constant 0 : i32
    %c0_i32_1 = arith.constant 0 : i32
    return %c0_i32, %c0_i32_0 : i32, i32
  }
  func.func @transform_9(%arg0: i32) -> (i32, i32) {
    %c0_i32 = arith.constant 0 : i32
    %c0_i32_0 = arith.constant 0 : i32
    %c0_i32_1 = arith.constant 0 : i32
    return %c0_i32, %c0_i32_0 : i32, i32
  }
  func.func @transform_10(%arg0: i32) -> (i32, i32) {
    %c0_i32 = arith.constant 0 : i32
    %c0_i32_0 = arith.constant 0 : i32
    %c0_i32_1 = arith.constant 0 : i32
    return %c0_i32, %c0_i32_0 : i32, i32
  }
  func.func @transform_11(%arg0: i32) -> (i32, i32) {
    %c0_i32 = arith.constant 0 : i32
    %c0_i32_0 = arith.constant 0 : i32
    %c0_i32_1 = arith.constant 0 : i32
    return %c0_i32, %c0_i32_0 : i32, i32
  }
  func.func @transform_12(%arg0: i32) -> (i32, i32) {
    %c0_i32 = arith.constant 0 : i32
    %c0_i32_0 = arith.constant 0 : i32
    %c0_i32_1 = arith.constant 0 : i32
    return %c0_i32, %c0_i32_0 : i32, i32
  }
  func.func @transform_13(%arg0: i32) -> (i32, i32) {
    %c0_i32 = arith.constant 0 : i32
    %c0_i32_0 = arith.constant 0 : i32
    %c0_i32_1 = arith.constant 0 : i32
    return %c0_i32, %c0_i32_0 : i32, i32
  }
  func.func @transform_14(%arg0: i32) -> (i32, i32) {
    %c0_i32 = arith.constant 0 : i32
    %c0_i32_0 = arith.constant 0 : i32
    return %arg0, %c0_i32 : i32, i32
  }
}

</mosaic_0001>

<sc_bundles>
// kernel: kernel.6.cloned.1.call-start
scs
__scs_entry_jumppad:
0x0: {  	(pc) =	sbr.rel $0x88, $3  }
0x1: {  	(tag) =	ssettag $0x0;
	lr =	simm.s32 $0x1  }
0x2: {  	[smem:$0x3F92] =	sst lr;
	_ =	strace $0xD0000000  }
0x3: {  	_ = 	snop  }
0x4: {  	_ = 	snop  }
0x5: {  	_ = 	snop  }
0x6: {  	_ = 	snop  }
0x7: {  	_ = 	snop  }
__scs_overlays_trampoline_lowered:
0x8: {  	[smem:$0x3FA1] =	sst s0  }
0x9: {  	[smem:$0x3FA2] =	sst s1  }
0xa: {  	[smem:$0x3FA3] =	sst s2  }
0xb: {  	[smem:$0x3FA4] =	sst s3  }
0xc: {  	[smem:$0x3FA5] =	sst s4  }
0xd: {  	[smem:$0x3FA6] =	sst s5  }
0xe: {  	[smem:$0x3FA7] =	sst s6  }
0xf: {  	[smem:$0x3FA8] =	sst s7  }
0x10: {  	[smem:$0x3FA9] =	sst s8  }
0x11: {  	[smem:$0x3FAA] =	sst s9;
	s0 =	simm.s32 @!p0 $0x0  }
0x12: {  	s1 =	sld [smem:$0x3F90];
	s0 =	simm.s32 @p0 $0x1  }
0x13: {  	[smem:$0x3FAB] =	sst s0;
	s0 =	simm.s32 @!p1 $0x0  }
0x14: {  	s2 =	sld [smem:$0x3F8F];
	s0 =	simm.s32 @p1 $0x1  }
0x15: {  	[smem:$0x3FAC] =	sst s0;
	s0 =	simm.s32 @!p2 $0x0  }
0x16: {  	s3 =	sld [smem:$0x3FDB];
	s0 =	simm.s32 @p2 $0x1  }
0x17: {  	s4 =	simm.s32 $0x1BF5;
	[smem:$0x3FAE] =	sst s0  }
0x18: {  	s0 =	sld [smem:$0x3F91];
	_ =	swait.ge [sflag:s4], $0x0  }
0x19: {  	s7 =	sld [smem:$0x3F92]  }
0x1a: {  	s8 =	sadd.s32 $0xFFFFE003, lr  }
0x1b: {  	s9 =	sadd.s32 $0xFFFFFEF7, lr;
	s5 =	simm.s32 $0xFFFFFFFF;
	p2 =	slt.u32 s8, $0xFFFFF086  }
0x1c: {  	p1 =	slt.u32 s9, $0xF7A;
	s5 =	simm.s32 @!p2 $0x0  }
0x1d: {  	s5 =	simm.s32 @p1 $0x1;
	p0 =	seq.s32 s7, s2  }
0x1e: {  	s7 =	smul.u32 @!p0 $0xF7A, s2;
	p2 =	seq.s32 @!p0 s5, $0x0  }
0x1f: {  	s9 =	smul.u32 $0xF7A, s1;
	s8 =	simm.s32 @!p0 $0x1BF5;
	p2 =	por !p2, p0  }
0x20: {  	[sflag:s8] =	ssyncset.s32 @!p0 $0xFFFFF086;
	s6 =	sadd.s32 @!p0 s3, s7;
	s7 =	simm.s32 @!p0 $0x108  }
0x21: {  	s3 =	sadd.s32 s3, s9;
	s6 =	sadd.s32 @!p0 $0x88, s6;
	s7 =	simm.s32 @p2 $0x1082  }
0x22: {  	[simem:s7], [sflag:s8] =	dma.local @!p0 [hbm:s6], $0xF7A  }
0x23: {  	s9 =	sor.u32 $0xD0000000, s2;
	s6 =	simm.s32 $0x108;
	_ =	swait.ge @!p0 [sflag:s8], $0x0  }
0x24: {  	s3 =	sadd.s32 $0x88, s3;
	s6 =	simm.s32 @!p1 $0x1082;
	[sflag:s4] =	ssyncset.s32 $0xFFFFF086  }
0x25: {  	[simem:s6], [sflag:s4] =	dma.local [hbm:s3], $0xF7A  }
0x26: {  	[smem:$0x3F92] =	sst s1;
	(tag) =	ssettag s2;
	_ =	strace s9  }
0x27: {  	s1 =	sld [smem:$0x3FA2]  }
0x28: {  	s2 =	sld [smem:$0x3FA3]  }
0x29: {  	s4 =	sld [smem:$0x3FA5]  }
0x2a: {  	p0 =	seq.s32 s5, $0x0;
	s5 =	sld [smem:$0x3FA6]  }
0x2b: {  	s6 =	sld [smem:$0x3FA7]  }
0x2c: {  	s7 =	sld [smem:$0x3FA8]  }
0x2d: {  	s3 =	simm.s32 $0x108;
	s8 =	sld [smem:$0x3FA9]  }
0x2e: {  	s3 =	simm.s32 @!p0 $0x1082;
	s9 =	sld [smem:$0x3FAA]  }
0x2f: {  	lr =	sadd.s32 s0, s3;
	s0 =	sld [smem:$0x3FA1]  }
0x30: {  	s3 =	sld [smem:$0x3FA4]  }
0x31: {  	[smem:$0x3FAD] =	sst s10  }
0x32: {  	s10 =	sld [smem:$0x3FAB];
	_ =	sdelay $0x3  }
0x33: {  	p0 =	seq.s32 s10, $0x1;
	s10 =	sld [smem:$0x3FAD];
	_ =	sdelay $0x3  }
0x34: {  	[smem:$0x3FAD] =	sst s10  }
0x35: {  	s10 =	sld [smem:$0x3FAC];
	_ =	sdelay $0x3  }
0x36: {  	p1 =	seq.s32 s10, $0x1;
	s10 =	sld [smem:$0x3FAD];
	_ =	sdelay $0x3  }
0x37: {  	[smem:$0x3FAD] =	sst s10  }
0x38: {  	s10 =	sld [smem:$0x3FAE]  }
0x39: {  	_ = 	snop;
	(pc) =	sbr.ind lr, $3  }
0x3a: {  	_ = 	snop  }
0x3b: {  	_ = 	snop  }
0x3c: {  	p2 =	seq.s32 s10, $0x1;
	s10 =	sld [smem:$0x3FAD]  }
0x3d: {  	_ =	shalt  }
0x3e: {  	_ =	shalt  }
0x3f: {  	_ =	shalt  }
0x40: {  	_ =	shalt  }
0x41: {  	_ =	shalt  }
0x42: {  	_ =	shalt  }
0x43: {  	_ =	shalt  }
0x44: {  	_ =	shalt  }
0x45: {  	_ =	shalt  }
0x46: {  	_ =	shalt  }
0x47: {  	_ =	shalt  }
0x48: {  	_ =	shalt  }
0x49: {  	_ =	shalt  }
0x4a: {  	_ =	shalt  }
0x4b: {  	_ =	shalt  }
0x4c: {  	_ =	shalt  }
0x4d: {  	_ =	shalt  }
0x4e: {  	_ =	shalt  }
0x4f: {  	_ =	shalt  }
0x50: {  	_ =	shalt  }
0x51: {  	_ =	shalt  }
0x52: {  	_ =	shalt  }
0x53: {  	_ =	shalt  }
0x54: {  	_ =	shalt  }
0x55: {  	_ =	shalt  }
0x56: {  	_ =	shalt  }
0x57: {  	_ =	shalt  }
0x58: {  	_ =	shalt  }
0x59: {  	_ =	shalt  }
0x5a: {  	_ =	shalt  }
0x5b: {  	_ =	shalt  }
0x5c: {  	_ =	shalt  }
0x5d: {  	_ =	shalt  }
0x5e: {  	_ =	shalt  }
0x5f: {  	_ =	shalt  }
0x60: {  	_ =	shalt  }
0x61: {  	_ =	shalt  }
0x62: {  	_ =	shalt  }
0x63: {  	_ =	shalt  }
0x64: {  	_ =	shalt  }
0x65: {  	_ =	shalt  }
0x66: {  	_ =	shalt  }
0x67: {  	_ =	shalt  }
0x68: {  	_ =	shalt  }
0x69: {  	_ =	shalt  }
0x6a: {  	_ =	shalt  }
0x6b: {  	_ =	shalt  }
0x6c: {  	_ =	shalt  }
0x6d: {  	_ =	shalt  }
0x6e: {  	_ =	shalt  }
0x6f: {  	_ =	shalt  }
0x70: {  	_ =	shalt  }
0x71: {  	_ =	shalt  }
0x72: {  	_ =	shalt  }
0x73: {  	_ =	shalt  }
0x74: {  	_ =	shalt  }
0x75: {  	_ =	shalt  }
0x76: {  	_ =	shalt  }
0x77: {  	_ =	shalt  }
0x78: {  	_ =	shalt  }
0x79: {  	_ =	shalt  }
0x7a: {  	_ =	shalt  }
0x7b: {  	_ =	shalt  }
0x7c: {  	_ =	shalt  }
0x7d: {  	_ =	shalt  }
0x7e: {  	_ =	shalt  }
0x7f: {  	_ =	shalt  }
0x80: {  	_ =	shalt  }
0x81: {  	_ =	shalt  }
0x82: {  	_ =	shalt  }
0x83: {  	_ =	shalt  }
0x84: {  	_ =	shalt  }
0x85: {  	_ =	shalt  }
0x86: {  	_ =	shalt  }
0x87: {  	_ =	shalt  }
.Lfunc_end0:
.L_simem_size_0:
called_computation_lowered:
.L_overlay_start_0:
0x88: {  	s2 =	sld [smem:$0x3FD9]  }
0x89: {  	s3 =	sld [smem:$0x3FFE];
	_ =	sdelay $0x1  }
0x8a: {  	s1 =	srdreg.scid  }
0x8b: {  	s0 =	sand.u32 $0x1, s1  }
0x8c: {  	s17 =	sshll.u32 s0, $0xA;
	s2 =	sadd.s32 s3, s2  }
0x8d: {  	s2 =	sadd.s32 s2, s17  }
0x8e: {  	[smem:$0x3FB9] =	sst s2  }
0x8f: {  	_ = 	snop  }
0x90: {  	(tm) =	ssettm $0x1  }
0x91: {  	s18 =	sld [smem:$0x3FFB];
	_ =	sdelay $0x3  }
0x92: {  	_ =	strace s18  }
0x93: {  	s2 =	sld [smem:$0x3FFC];
	_ =	sdelay $0x3  }
0x94: {  	_ =	strace s2  }
0x95: {  	s2 =	sld [smem:$0x3FFD];
	_ =	sdelay $0x3  }
0x96: {  	_ =	strace s2  }
0x97: {  	_ =	strace $0x8FFFFFFF  }
0x98: {  	s19 =	sld [smem:$0x3FDB];
	_ =	sdelay $0x1  }
0x99: {  	s20 =	simm.s32 $_scs_section_size  }
0x9a: {  	s4 =	simm.s32 $_size__tile_overlayer_lowered;
	s5 =	simm.s32 $_tile_overlayer_lowered  }
0x9b: {  	s6 =	simm.s32 $0x1BFF;
	s21 =	sshll.u32 s5, $0x1;
	s3 =	sadd.s32 s20, s19  }
0x9c: {  	s22 =	simm.s32 $0x0;
	s4 =	sshll.u32 s4, $0x1;
	s5 =	sadd.s32 s21, s3  }
0x9d: {  	[timem:s22], [sflag:s6] =	dma.local [hbm:s5], s4  }
0x9e: {  	_ =	swait.ge [sflag:s6], s4  }
0x9f: {  	s4 =	ssub.s32 $0x0, s4;
	[sflag:s6] =	ssyncset.done $0x0  }
0xa0: {  	[sflag:s6] =	ssyncadd.s32 s4;
	_ =	sdelay $0x1  }
0xa1: {  	s23 =	simm.s32 $0x1B8B  }
0xa2: {  	_ =	swait.ge [sflag:s23], $0x1  }
0xa3: {  	[sflag:s23] =	ssyncset.done $0x0  }
0xa4: {  	[sflag:s23] =	ssyncadd.s32 $0xFFFFFFFF  }
0xa5: {  	s4 =	sld [smem:$0x0]  }
0xa6: {  	s5 =	sand.u32 $0xFFFFFFFE, s1  }
0xa7: {  	p0 =	sne.s32 s1, s5  }
0xa8: {  	s5 =	sshll.u32 @p0 s5, $0xE  }
0xa9: {  	s5 =	sadd.s32 @p0 $0x11B8D, s5;
	s6 =	sshll.u32 @p0 s4, $0x11  }
0xaa: {  	s5 =	sor.u32 @p0 s6, s5  }
0xab: {  	[sflag:s5] =	ssyncadd.remote.s32 @p0 $0x1;
	_ =	sdelay $0x1  }
0xac: {  	s5 =	simm.s32 @p0 $0x1B8D  }
0xad: {  	_ =	swait.eq @p0 [sflag:s5], $0x1  }
0xae: {  	[sflag:s5] =	ssyncadd.s32 @p0 $0xFFFFFFFF  }
0xaf: {  	s6 =	sshll.u32 @!p0 s1, $0xE  }
0xb0: {  	s6 =	sor.u32 @!p0 $0x4000, s6;
	s5 =	simm.s32 @!p0 $0x1B8D  }
0xb1: {  	s4 =	sshll.u32 @!p0 s4, $0x11;
	s6 =	sadd.s32 @!p0 $0x11B8D, s6;
	_ =	swait.eq @!p0 [sflag:s5], $0x1  }
0xb2: {  	s4 =	sor.u32 @!p0 s4, s6;
	[sflag:s5] =	ssyncadd.s32 @!p0 $0xFFFFFFFF  }
0xb3: {  	s25 =	simm.s32 $0x1B8E;
	s24 =	sld [smem:$0x3FFE];
	[sflag:s4] =	ssyncadd.remote.s32 @!p0 $0x1  }
0xb4: {  	s26 =	simm.s32 $execute0_lowered;
	[smem:$0x3FD2] =	sst s25  }
0xb5: {  	s5 =	sshll.u32 s26, $0x1;
	_ =	strace $0x80000049;
	[dreg:$0x1] =	wrdreg $0xFFFFFFFF  }
0xb6: {  	s28 =	simm.s32 $_size_execute0_lowered;
	s3 =	sadd.s32 s3, s5;
	[dreg:$0x0] =	wrdreg $0x0  }
0xb7: {  	s5 =	sshll.u32 s28, $0x1;
	[dreg:$0x2] =	wrdreg s3  }
0xb8: {  	[dreg:$0x3] =	wrdreg s5  }
0xb9: {  	[dreg:$0x4] =	wrdreg $0xC0  }
0xba: {  	_ =	task [dreg:s22], $0x5FFFF  }
0xbb: {  	[dreg:$0x1] =	wrdreg $0xFFFFFFFF  }
0xbc: {  	[dreg:$0x0] =	wrdreg $0x60  }
0xbd: {  	[dreg:$0x2] =	wrdreg s24  }
0xbe: {  	[dreg:$0x3] =	wrdreg $0x9  }
0xbf: {  	_ =	task.clear_ibuf [dreg:s22], $0x4FFFF;
	_ =	strace $0x90000049  }
0xc0: {  	s29 =	simm.s32 $0x9;
	_ =	strace $0x8000004B  }
0xc1: {  	_ =	swait.ge [sflag:s29], $0x1  }
0xc2: {  	[sflag:s29] =	ssyncadd.s32 $0xFFFFFFFF  }
0xc3: {  	_ =	strace $0x9000004B  }
0xc4: {  	_ =	sfence  }
0xc5: {  	s30 =	sld [smem:$0x0];
	_ =	sdelay $0x2  }
0xc6: {  	s31 =	sshll.u32 s1, $0xD;
	s1 =	sshrl.u32 s1, $0x2  }
0xc7: {  	s4 =	sand.u32 $0x4000, s31;
	s1 =	sadd.s32 s1, s30  }
0xc8: {  	s0 =	sor.u32 s4, s0;
	s1 =	sshll.u32 s1, $0x11  }
0xc9: {  	s0 =	sor.u32 s1, s0  }
0xca: {  	s0 =	sadd.s32 $0x8F2B, s0  }
0xcb: {  	[sflag:s0] =	ssyncadd.remote.s32 $0x1  }
0xcc: {  	_ =	sfence.sel $0xFFFF  }
0xcd: {  	[dreg:$0x0] =	wrdreg $0xFFFFFFFF;
	(pc) =	sbr.abs _section_cstart, $3  }
0xce: {  	[dreg:$0x1] =	wrdreg $0xFFFFFFFF  }
0xcf: {  	_ =	task.clear_ibuf [dreg:s22], $0x2FFFF;
	_ =	strace $0x9FFFFFFF  }
0xd0: {  	(tm) =	ssettm $0x7FFFFFFF  }
0xd1: {  	_ =	shalt  }
tec
execute0_lowered:
.L_overlay_start_1:
0x0: {  	(tag) =	ssettag $0x1  }
0x1: {  	s4 =	rddreg [dreg:$0x0];
	s2 =	simm.s32 $0x0;
	s0 =	stileid.u32  }
0x2: {  	s3 =	srdreg.scid;
	s17 =	simm.s32 $0x200;
	s25 =	smul.u32 $0xC40, s0  }
0x3: {  	s18 =	simm.s32 $0x2;
	s19 =	simm.s32 $0x4200;
	s26 =	smul.u32 $0xC4, s0  }
0x4: {  	s20 =	simm.s32 $0x7;
	s10 =	sand.u32 $0x1, s3;
	s29 =	smul.u32 $0x62000, s0  }
0x5: {  	[smem:$0x7FF] =	sst s2;
	s3 =	sadd.s32 $0x1BAA00, s4;
	s16 =	smul.u32 $0x62, s10  }
0x6: {  	s5 =	sshll.u32 s0, $0x1;
	s9 =	sadd.s32 $0x195E00, s4;
	s28 =	smul.u32 $0x620, s10  }
0x7: {  	s11 =	sadd.s32 $0x1AE600, s4;
	s5 =	sor.u32 s10, s5;
	s31 =	smul.u32 $0x31000, s10  }
0x8: {  	s12 =	sadd.s32 $0x89E000, s4;
	_ =	strace $0x8000004A;
	s21 =	smul.u32 $0x3100, s5  }
0x9: {  	s6 =	ssub.s32 $0x2, s10;
	s7 =	smul.u32 $0x62, s5;
	s8 =	sshll.u32 s5, $0x8  }
0xa: {  	s13 =	sshrl.u32 s6, $0x1;
	s5 =	smul.u32 $0x620, s5;
	s22 =	sand.u32 $0x300, s8  }
0xb: {  	s23 =	ssub.s32 s6, s13;
	s13 =	simm.s32 $0x100;
	s14 =	sand.u32 $0x7FC00, s21  }
0xc: {  	s24 =	sor.u32 $0x1, s7;
	s5 =	sadd.s32 s11, s5;
	s8 =	smax.u32 s23, $0x1  }
0xd: {  	s21 =	simm.s32 $0x3;
	s23 =	simm.s32 $0x4;
	s4 =	sor.u32 s22, s14  }
0xe: {  	s7 =	sshll.u32 s24, $0x7;
	s15 =	sshll.u32 s24, $0x4;
	s22 =	simm.s32 $0x8  }
0xf: {  	s24 =	simm.s32 $0x5;
	s4 =	sshrl.u32 s4, $0x3;
	s7 =	sand.u32 $0x380, s7  }
0x10: {  	s4 =	sadd.s32 s9, s4;
	s7 =	sor.u32 s14, s7;
	s14 =	sadd.s32 s16, s26  }
0x11: {  	v0 =	vlaneseq.u32;
	s16 =	simm.s32 $0x1;
	s26 =	simm.s32 $0x0;
	s7 =	sshrl.u32 s7, $0x3  }
.Ltmp0:
0x12: {  	v7 =	vmul.u32 $0x80, v0;
	s14 =	sshll.u32 s14, $0xB;
	s6 =	sadd.s32 s9, s7;
	(pc) =	sbr.rel .LBB2_1-.Ltmp0, $4  }
0x13: {  	s7 =	sadd.s32 s11, s15;
	s9 =	sadd.s32 s25, s9;
	s11 =	sadd.s32 s25, s11  }
0x14: {  	v0 =	vor.u32 $0x3, v7;
	v1 =	vor.u32 $0x803, v7;
	s30 =	sadd.s32 s14, s12;
	s12 =	sadd.s32 s29, s12;
	s14 =	simm.s32 $0x80  }
0x15: {  	v2 =	vor.u32 $0x1003, v7;
	v3 =	vor.u32 $0x1803, v7;
	v4 =	vor.u32 $0x2003, v7;
	s15 =	simm.s32 $0x180;
	s25 =	simm.s32 $0x6;
	s9 =	sadd.s32 s28, s9  }
0x16: {  	v5 =	vor.u32 $0x2803, v7;
	v6 =	vor.u32 $0x3003, v7;
	v7 =	vor.u32 $0x3803, v7;
	s10 =	sadd.s32 s28, s11;
	s11 =	sadd.s32 $0x800, s30;
	s12 =	sadd.s32 s31, s12  }
.LBB2_4:
0x17: {  	s26 =	sadd.s32 $0x1, s26  }
0x18: {  	_ =	swait.ge [sflag:s24], $0x4000;
	p0 =	sne.s32 s26, s8  }
.Ltmp1:
0x19: {  	[sflag:s24] =	ssyncset.done $0x0;
	(pc) =	sbr.rel @!p0 .LBB2_5-.Ltmp1, $4  }
0x1a: {  	[sflag:s24] =	ssyncadd.s32 $0xFFFFC000  }
0x1b: {  	_ =	swait.ge [sflag:s25], $0x4000  }
0x1c: {  	[sflag:s25] =	ssyncset.done $0x0  }
0x1d: {  	[sflag:s25] =	ssyncadd.s32 $0xFFFFC000  }
.LBB2_1:
0x1e: {  	[tilespmem:s2], [sflag:$0x1] =	stream.linear.gather [hbm4b:s4+s2], $0x80, $0x38;
	[tilespmem:$0x8200] =	vst v63  }
0x1f: {  	_ = 	snop  }
0x20: {  	[tilespmem:s13], [sflag:$0x3] =	stream.linear.gather [hbm4b:s5+s2], $0x80, $0x38;
	[tilespmem:$0x8200] =	vst v63  }
0x21: {  	_ = 	snop  }
0x22: {  	[tilespmem:s14], [sflag:$0x2] =	stream.linear.gather [hbm4b:s6+s2], $0x80, $0x38;
	[tilespmem:$0x8200] =	vst v63  }
0x23: {  	_ = 	snop  }
0x24: {  	[tilespmem:s15], [sflag:$0x4] =	stream.linear.gather [hbm4b:s7+s2], $0x80, $0x38;
	[tilespmem:$0x8200] =	vst v63  }
0x25: {  	_ =	swait.ge [sflag:s16], $0x80  }
0x26: {  	s28 =	smov.u32 s12;
	[sflag:s16] =	ssyncset.done $0x0  }
0x27: {  	s29 =	smov.u32 s11;
	s30 =	simm.s32 $0x0;
	[sflag:s16] =	ssyncadd.s32 $0xFFFFFF80  }
0x28: {  	[tilespmem:s17], [sflag:$0x7] =	stream.indirect.gather [hbm4b:s3+s14], $0x80, s2, s14, $0xb8;
	[tilespmem:$0x8200] =	vst v63  }
.LBB2_2:
0x29: {  	_ =	swait.ge [sflag:s18], $0x80  }
0x2a: {  	p0 =	seq.s32 s30, $0x0;
	[sflag:s18] =	ssyncset.done $0x0  }
0x2b: {  	s31 =	simm.s32 @!p0 $0x6;
	[sflag:s18] =	ssyncadd.s32 $0xFFFFFF80  }
0x2c: {  	_ =	swait.ge @!p0 [sflag:s31], $0x4000  }
0x2d: {  	[sflag:s31] =	ssyncset.done @!p0 $0x0  }
0x2e: {  	[sflag:s31] =	ssyncadd.s32 @!p0 $0xFFFFC000  }
0x2f: {  	[tilespmem:s19], [sflag:$0x8] =	stream.indirect.gather [hbm4b:s3+s14], $0x80, s14, s14, $0xb8;
	[tilespmem:$0x8200] =	vst v63  }
0x30: {  	_ =	swait.ge [sflag:s20], $0x4000  }
0x31: {  	[sflag:s20] =	ssyncset.done $0x0  }
0x32: {  	[sflag:s20] =	ssyncadd.s32 $0xFFFFC000  }
0x33: {  	_ =	swait.ge [sflag:s21], $0x80  }
0x34: {  	[sflag:s21] =	ssyncset.done $0x0  }
0x35: {  	[sflag:s21] =	ssyncadd.s32 $0xFFFFFF80  }
0x36: {  	v8 =	vld [tilespmem:$0x100];
	_ =	sdelay $0x4  }
0x37: {  	[tilespmem:v0+s17+$0x0] =	vst.idx.msk $0xffff, v8  }
0x38: {  	v8 =	vld [tilespmem:$0x110];
	_ =	sdelay $0x4  }
0x39: {  	[tilespmem:v1+s17+$0x0] =	vst.idx.msk $0xffff, v8  }
0x3a: {  	v8 =	vld [tilespmem:$0x120];
	_ =	sdelay $0x4  }
0x3b: {  	[tilespmem:v2+s17+$0x0] =	vst.idx.msk $0xffff, v8  }
0x3c: {  	v8 =	vld [tilespmem:$0x130];
	_ =	sdelay $0x4  }
0x3d: {  	[tilespmem:v3+s17+$0x0] =	vst.idx.msk $0xffff, v8  }
0x3e: {  	v8 =	vld [tilespmem:$0x140];
	_ =	sdelay $0x4  }
0x3f: {  	[tilespmem:v4+s17+$0x0] =	vst.idx.msk $0xffff, v8  }
0x40: {  	v8 =	vld [tilespmem:$0x150];
	_ =	sdelay $0x4  }
0x41: {  	[tilespmem:v5+s17+$0x0] =	vst.idx.msk $0xffff, v8  }
0x42: {  	v8 =	vld [tilespmem:$0x160];
	_ =	sdelay $0x4  }
0x43: {  	[tilespmem:v6+s17+$0x0] =	vst.idx.msk $0xffff, v8  }
0x44: {  	v8 =	vld [tilespmem:$0x170];
	_ =	sdelay $0x3  }
0x45: {  	p0 =	seq.s32 s30, $0x600  }
0x46: {  	s31 =	sadd.s32 @!p0 s30, s9;
	[tilespmem:v7+s17+$0x0] =	vst.idx.msk $0xffff, v8  }
0x47: {  	[hbm4b:s28+s2] =	stream.linear.scatter [tilespmem:s17], [sflag:$0x5], $0x4000, $0x38;
	[tilespmem:$0x8200] =	vst v63  }
0x48: {  	s0 =	simm.s32 @!p0 $0x0;
	s31 =	sadd.s32 @!p0 $0x20, s31  }
0x49: {  	[tilespmem:s0], [sflag:$0x1] =	stream.linear.gather @!p0 [hbm4b:s31+s0], $0x80, $0x38;
	[tilespmem:$0x8200] =	vst v63  }
0x4a: {  	s31 =	sadd.s32 @!p0 s30, s10  }
0x4b: {  	s1 =	simm.s32 @!p0 $0x100;
	s31 =	sadd.s32 @!p0 $0x20, s31  }
0x4c: {  	[tilespmem:s1], [sflag:$0x3] =	stream.linear.gather @!p0 [hbm4b:s31+s0], $0x80, $0x38;
	[tilespmem:$0x8200] =	vst v63  }
0x4d: {  	s1 =	simm.s32 @!p0 $0x1  }
0x4e: {  	_ =	swait.ge @!p0 [sflag:s1], $0x80  }
0x4f: {  	[sflag:s1] =	ssyncset.done @!p0 $0x0  }
0x50: {  	[sflag:s1] =	ssyncadd.s32 @!p0 $0xFFFFFF80;
	s1 =	simm.s32 @!p0 $0x5  }
0x51: {  	_ =	swait.ge @!p0 [sflag:s1], $0x4000  }
0x52: {  	[sflag:s1] =	ssyncset.done @!p0 $0x0  }
0x53: {  	s31 =	simm.s32 @!p0 $0x200;
	[sflag:s1] =	ssyncadd.s32 @!p0 $0xFFFFC000;
	s1 =	simm.s32 @!p0 $0x80  }
0x54: {  	[tilespmem:s31], [sflag:$0x7] =	stream.indirect.gather @!p0 [hbm4b:s3+s1], $0x80, s0, s1, $0xb8;
	[tilespmem:$0x8200] =	vst v63  }
0x55: {  	_ =	swait.ge [sflag:s22], $0x4000  }
0x56: {  	[sflag:s22] =	ssyncset.done $0x0  }
0x57: {  	[sflag:s22] =	ssyncadd.s32 $0xFFFFC000  }
0x58: {  	_ =	swait.ge [sflag:s23], $0x80  }
0x59: {  	[sflag:s23] =	ssyncset.done $0x0  }
0x5a: {  	[sflag:s23] =	ssyncadd.s32 $0xFFFFFF80  }
0x5b: {  	v8 =	vld [tilespmem:$0x180];
	_ =	sdelay $0x4  }
0x5c: {  	[tilespmem:v0+s19+$0x0] =	vst.idx.msk $0xffff, v8  }
0x5d: {  	v8 =	vld [tilespmem:$0x190];
	_ =	sdelay $0x4  }
0x5e: {  	[tilespmem:v1+s19+$0x0] =	vst.idx.msk $0xffff, v8  }
0x5f: {  	v8 =	vld [tilespmem:$0x1A0];
	_ =	sdelay $0x4  }
0x60: {  	[tilespmem:v2+s19+$0x0] =	vst.idx.msk $0xffff, v8  }
0x61: {  	v8 =	vld [tilespmem:$0x1B0];
	_ =	sdelay $0x4  }
0x62: {  	[tilespmem:v3+s19+$0x0] =	vst.idx.msk $0xffff, v8  }
0x63: {  	v8 =	vld [tilespmem:$0x1C0];
	_ =	sdelay $0x4  }
0x64: {  	[tilespmem:v4+s19+$0x0] =	vst.idx.msk $0xffff, v8  }
0x65: {  	v8 =	vld [tilespmem:$0x1D0];
	_ =	sdelay $0x4  }
0x66: {  	[tilespmem:v5+s19+$0x0] =	vst.idx.msk $0xffff, v8  }
0x67: {  	v8 =	vld [tilespmem:$0x1E0];
	_ =	sdelay $0x4  }
0x68: {  	[tilespmem:v6+s19+$0x0] =	vst.idx.msk $0xffff, v8  }
0x69: {  	v8 =	vld [tilespmem:$0x1F0];
	_ =	sdelay $0x1  }
.Ltmp2:
0x6a: {  	_ = 	snop;
	(pc) =	sbr.rel @p0 .LBB2_4-.Ltmp2, $3  }
0x6b: {  	_ =	sdelay $0x1  }
0x6c: {  	[tilespmem:v7+s19+$0x0] =	vst.idx.msk $0xffff, v8  }
0x6d: {  	[hbm4b:s29+s2] =	stream.linear.scatter [tilespmem:s19], [sflag:$0x6], $0x4000, $0x38;
	[tilespmem:$0x8200] =	vst v63  }
.Ltmp3:
0x6e: {  	s0 =	sadd.s32 s30, s9;
	(pc) =	sbr.rel .LBB2_2-.Ltmp3, $4  }
0x6f: {  	s31 =	sadd.s32 s30, s10;
	s30 =	sadd.s32 $0x20, s30;
	s0 =	sadd.s32 $0x30, s0  }
0x70: {  	[tilespmem:s14], [sflag:$0x2] =	stream.linear.gather [hbm4b:s0+s2], $0x80, $0x38;
	[tilespmem:$0x8200] =	vst v63  }
0x71: {  	s29 =	sadd.s32 $0x1000, s29;
	s28 =	sadd.s32 $0x1000, s28;
	s0 =	sadd.s32 $0x30, s31  }
0x72: {  	[tilespmem:s15], [sflag:$0x4] =	stream.linear.gather [hbm4b:s0+s2], $0x80, $0x38;
	[tilespmem:$0x8200] =	vst v63  }
.LBB2_5:
0x73: {  	_ =	sfence.sel $0x180000  }
0x74: {  	[bflag:$0x0] =	sbarrier.arrive $0xFFFF  }
0x75: {  	_ =	strace $0x9000004A  }
0x76: {  	s0 =	stileid.u32;
	[bflag:$0x2] =	sbarrier.arrive $0xFFFF  }
0x77: {  	p0 =	sne.s32 s0, $0x0;
	s0 =	rddreg [dreg:$0x1]  }
0x78: {  	s0 =	sadd.s32 @!p0 $0x100000, s0  }
0x79: {  	[sflag:s0] =	ssyncadd.tile.s32 @!p0 $0x1;
	_ =	shalt  }
.Lfunc_end2:
_tile_overlayer_lowered:
.L_overlay_start_2:
0x7a: {  	(tag) =	ssettag $0x2  }
0x7b: {  	s0 =	rddreg [dreg:$0x0];
	s2 =	stileid.u32  }
0x7c: {  	s1 =	rddreg [dreg:$0x1];
	p0 =	sne.s32 s2, $0x0  }
0x7d: {  	s3 =	rddreg [dreg:$0x2];
	[bflag:$0x3] =	sbarrier.arrive $0xFFFF;
	s2 =	simm.s32 @!p0 $0x1C09  }
0x7e: {  	[timem:s3], [sflag:s2] =	dma.local @!p0 [hbm:s0], s1  }
0x7f: {  	s0 =	simm.s32 @!p0 $0x9  }
0x80: {  	_ =	swait.ge @!p0 [sflag:s0], s1  }
0x81: {  	s1 =	ssub.s32 @!p0 $0x0, s1;
	[sflag:s0] =	ssyncset.done @!p0 $0x0  }
0x82: {  	[sflag:s0] =	ssyncadd.s32 @!p0 s1  }
0x83: {  	[bflag:$0x3] =	sbarrier.arrive $0xFFFF  }
0x84: {  	_ =	shalt  }

// kernel: kernel.9.cloned.1.call-start
scs
__scs_entry_jumppad:
0x0: {  	(pc) =	sbr.rel $0x88, $3  }
0x1: {  	(tag) =	ssettag $0x0;
	lr =	simm.s32 $0x1  }
0x2: {  	[smem:$0x3F92] =	sst lr;
	_ =	strace $0xD0000000  }
0x3: {  	_ = 	snop  }
0x4: {  	_ = 	snop  }
0x5: {  	_ = 	snop  }
0x6: {  	_ = 	snop  }
0x7: {  	_ = 	snop  }
__scs_overlays_trampoline_lowered:
0x8: {  	[smem:$0x3FA1] =	sst s0  }
0x9: {  	[smem:$0x3FA2] =	sst s1  }
0xa: {  	[smem:$0x3FA3] =	sst s2  }
0xb: {  	[smem:$0x3FA4] =	sst s3  }
0xc: {  	[smem:$0x3FA5] =	sst s4  }
0xd: {  	[smem:$0x3FA6] =	sst s5  }
0xe: {  	[smem:$0x3FA7] =	sst s6  }
0xf: {  	[smem:$0x3FA8] =	sst s7  }
0x10: {  	[smem:$0x3FA9] =	sst s8  }
0x11: {  	[smem:$0x3FAA] =	sst s9;
	s0 =	simm.s32 @!p0 $0x0  }
0x12: {  	s1 =	sld [smem:$0x3F90];
	s0 =	simm.s32 @p0 $0x1  }
0x13: {  	[smem:$0x3FAB] =	sst s0;
	s0 =	simm.s32 @!p1 $0x0  }
0x14: {  	s2 =	sld [smem:$0x3F8F];
	s0 =	simm.s32 @p1 $0x1  }
0x15: {  	[smem:$0x3FAC] =	sst s0;
	s0 =	simm.s32 @!p2 $0x0  }
0x16: {  	s3 =	sld [smem:$0x3FDB];
	s0 =	simm.s32 @p2 $0x1  }
0x17: {  	s4 =	simm.s32 $0x1BF5;
	[smem:$0x3FAE] =	sst s0  }
0x18: {  	s0 =	sld [smem:$0x3F91];
	_ =	swait.ge [sflag:s4], $0x0  }
0x19: {  	s7 =	sld [smem:$0x3F92]  }
0x1a: {  	s8 =	sadd.s32 $0xFFFFE003, lr  }
0x1b: {  	s9 =	sadd.s32 $0xFFFFFEF7, lr;
	s5 =	simm.s32 $0xFFFFFFFF;
	p2 =	slt.u32 s8, $0xFFFFF086  }
0x1c: {  	p1 =	slt.u32 s9, $0xF7A;
	s5 =	simm.s32 @!p2 $0x0  }
0x1d: {  	s5 =	simm.s32 @p1 $0x1;
	p0 =	seq.s32 s7, s2  }
0x1e: {  	s7 =	smul.u32 @!p0 $0xF7A, s2;
	p2 =	seq.s32 @!p0 s5, $0x0  }
0x1f: {  	s9 =	smul.u32 $0xF7A, s1;
	s8 =	simm.s32 @!p0 $0x1BF5;
	p2 =	por !p2, p0  }
0x20: {  	[sflag:s8] =	ssyncset.s32 @!p0 $0xFFFFF086;
	s6 =	sadd.s32 @!p0 s3, s7;
	s7 =	simm.s32 @!p0 $0x108  }
0x21: {  	s3 =	sadd.s32 s3, s9;
	s6 =	sadd.s32 @!p0 $0x88, s6;
	s7 =	simm.s32 @p2 $0x1082  }
0x22: {  	[simem:s7], [sflag:s8] =	dma.local @!p0 [hbm:s6], $0xF7A  }
0x23: {  	s9 =	sor.u32 $0xD0000000, s2;
	s6 =	simm.s32 $0x108;
	_ =	swait.ge @!p0 [sflag:s8], $0x0  }
0x24: {  	s3 =	sadd.s32 $0x88, s3;
	s6 =	simm.s32 @!p1 $0x1082;
	[sflag:s4] =	ssyncset.s32 $0xFFFFF086  }
0x25: {  	[simem:s6], [sflag:s4] =	dma.local [hbm:s3], $0xF7A  }
0x26: {  	[smem:$0x3F92] =	sst s1;
	(tag) =	ssettag s2;
	_ =	strace s9  }
0x27: {  	s1 =	sld [smem:$0x3FA2]  }
0x28: {  	s2 =	sld [smem:$0x3FA3]  }
0x29: {  	s4 =	sld [smem:$0x3FA5]  }
0x2a: {  	p0 =	seq.s32 s5, $0x0;
	s5 =	sld [smem:$0x3FA6]  }
0x2b: {  	s6 =	sld [smem:$0x3FA7]  }
0x2c: {  	s7 =	sld [smem:$0x3FA8]  }
0x2d: {  	s3 =	simm.s32 $0x108;
	s8 =	sld [smem:$0x3FA9]  }
0x2e: {  	s3 =	simm.s32 @!p0 $0x1082;
	s9 =	sld [smem:$0x3FAA]  }
0x2f: {  	lr =	sadd.s32 s0, s3;
	s0 =	sld [smem:$0x3FA1]  }
0x30: {  	s3 =	sld [smem:$0x3FA4]  }
0x31: {  	[smem:$0x3FAD] =	sst s10  }
0x32: {  	s10 =	sld [smem:$0x3FAB];
	_ =	sdelay $0x3  }
0x33: {  	p0 =	seq.s32 s10, $0x1;
	s10 =	sld [smem:$0x3FAD];
	_ =	sdelay $0x3  }
0x34: {  	[smem:$0x3FAD] =	sst s10  }
0x35: {  	s10 =	sld [smem:$0x3FAC];
	_ =	sdelay $0x3  }
0x36: {  	p1 =	seq.s32 s10, $0x1;
	s10 =	sld [smem:$0x3FAD];
	_ =	sdelay $0x3  }
0x37: {  	[smem:$0x3FAD] =	sst s10  }
0x38: {  	s10 =	sld [smem:$0x3FAE]  }
0x39: {  	_ = 	snop;
	(pc) =	sbr.ind lr, $3  }
0x3a: {  	_ = 	snop  }
0x3b: {  	_ = 	snop  }
0x3c: {  	p2 =	seq.s32 s10, $0x1;
	s10 =	sld [smem:$0x3FAD]  }
0x3d: {  	_ =	shalt  }
0x3e: {  	_ =	shalt  }
0x3f: {  	_ =	shalt  }
0x40: {  	_ =	shalt  }
0x41: {  	_ =	shalt  }
0x42: {  	_ =	shalt  }
0x43: {  	_ =	shalt  }
0x44: {  	_ =	shalt  }
0x45: {  	_ =	shalt  }
0x46: {  	_ =	shalt  }
0x47: {  	_ =	shalt  }
0x48: {  	_ =	shalt  }
0x49: {  	_ =	shalt  }
0x4a: {  	_ =	shalt  }
0x4b: {  	_ =	shalt  }
0x4c: {  	_ =	shalt  }
0x4d: {  	_ =	shalt  }
0x4e: {  	_ =	shalt  }
0x4f: {  	_ =	shalt  }
0x50: {  	_ =	shalt  }
0x51: {  	_ =	shalt  }
0x52: {  	_ =	shalt  }
0x53: {  	_ =	shalt  }
0x54: {  	_ =	shalt  }
0x55: {  	_ =	shalt  }
0x56: {  	_ =	shalt  }
0x57: {  	_ =	shalt  }
0x58: {  	_ =	shalt  }
0x59: {  	_ =	shalt  }
0x5a: {  	_ =	shalt  }
0x5b: {  	_ =	shalt  }
0x5c: {  	_ =	shalt  }
0x5d: {  	_ =	shalt  }
0x5e: {  	_ =	shalt  }
0x5f: {  	_ =	shalt  }
0x60: {  	_ =	shalt  }
0x61: {  	_ =	shalt  }
0x62: {  	_ =	shalt  }
0x63: {  	_ =	shalt  }
0x64: {  	_ =	shalt  }
0x65: {  	_ =	shalt  }
0x66: {  	_ =	shalt  }
0x67: {  	_ =	shalt  }
0x68: {  	_ =	shalt  }
0x69: {  	_ =	shalt  }
0x6a: {  	_ =	shalt  }
0x6b: {  	_ =	shalt  }
0x6c: {  	_ =	shalt  }
0x6d: {  	_ =	shalt  }
0x6e: {  	_ =	shalt  }
0x6f: {  	_ =	shalt  }
0x70: {  	_ =	shalt  }
0x71: {  	_ =	shalt  }
0x72: {  	_ =	shalt  }
0x73: {  	_ =	shalt  }
0x74: {  	_ =	shalt  }
0x75: {  	_ =	shalt  }
0x76: {  	_ =	shalt  }
0x77: {  	_ =	shalt  }
0x78: {  	_ =	shalt  }
0x79: {  	_ =	shalt  }
0x7a: {  	_ =	shalt  }
0x7b: {  	_ =	shalt  }
0x7c: {  	_ =	shalt  }
0x7d: {  	_ =	shalt  }
0x7e: {  	_ =	shalt  }
0x7f: {  	_ =	shalt  }
0x80: {  	_ =	shalt  }
0x81: {  	_ =	shalt  }
0x82: {  	_ =	shalt  }
0x83: {  	_ =	shalt  }
0x84: {  	_ =	shalt  }
0x85: {  	_ =	shalt  }
0x86: {  	_ =	shalt  }
0x87: {  	_ =	shalt  }
.Lfunc_end0:
.L_simem_size_0:
called_computation.1_lowered:
.L_overlay_start_0:
0x88: {  	s2 =	sld [smem:$0x3FD9]  }
0x89: {  	s3 =	sld [smem:$0x3FFE];
	_ =	sdelay $0x1  }
0x8a: {  	s1 =	srdreg.scid  }
0x8b: {  	s0 =	sand.u32 $0x1, s1  }
0x8c: {  	s16 =	sshll.u32 s0, $0xA;
	s2 =	sadd.s32 s3, s2  }
0x8d: {  	s2 =	sadd.s32 s2, s16  }
0x8e: {  	[smem:$0x3FB9] =	sst s2  }
0x8f: {  	_ = 	snop  }
0x90: {  	(tm) =	ssettm $0x1  }
0x91: {  	s17 =	sld [smem:$0x3FFB];
	_ =	sdelay $0x3  }
0x92: {  	_ =	strace s17  }
0x93: {  	s2 =	sld [smem:$0x3FFC];
	_ =	sdelay $0x3  }
0x94: {  	_ =	strace s2  }
0x95: {  	s2 =	sld [smem:$0x3FFD];
	_ =	sdelay $0x3  }
0x96: {  	_ =	strace s2  }
0x97: {  	_ =	strace $0x8FFFFFFF  }
0x98: {  	s18 =	sld [smem:$0x3FDB];
	_ =	sdelay $0x1  }
0x99: {  	s19 =	simm.s32 $_scs_section_size  }
0x9a: {  	s4 =	simm.s32 $_size__tile_overlayer_lowered;
	s5 =	simm.s32 $_tile_overlayer_lowered  }
0x9b: {  	s22 =	simm.s32 $0x1BFF;
	s21 =	sshll.u32 s5, $0x1;
	s2 =	sadd.s32 s19, s18  }
0x9c: {  	s6 =	simm.s32 $0x0;
	s20 =	sshll.u32 s4, $0x1;
	s4 =	sadd.s32 s21, s2  }
0x9d: {  	[timem:s6], [sflag:s22] =	dma.local [hbm:s4], s20  }
0x9e: {  	_ =	swait.ge [sflag:s22], s20  }
0x9f: {  	s3 =	ssub.s32 $0x0, s20;
	[sflag:s22] =	ssyncset.done $0x0  }
0xa0: {  	[sflag:s22] =	ssyncadd.s32 s3;
	_ =	sdelay $0x1  }
0xa1: {  	s23 =	simm.s32 $0x1B8B  }
0xa2: {  	_ =	swait.ge [sflag:s23], $0x1  }
0xa3: {  	[sflag:s23] =	ssyncset.done $0x0  }
0xa4: {  	s25 =	simm.s32 $0x1B8E;
	s24 =	sld [smem:$0x3FFE];
	[sflag:s23] =	ssyncadd.s32 $0xFFFFFFFF  }
0xa5: {  	s26 =	simm.s32 $execute0_lowered;
	[smem:$0x3FD2] =	sst s25  }
0xa6: {  	s4 =	sshll.u32 s26, $0x1;
	_ =	strace $0x80000046;
	[dreg:$0x1] =	wrdreg $0xFFFFFFFF  }
0xa7: {  	s28 =	simm.s32 $_size_execute0_lowered;
	s2 =	sadd.s32 s2, s4;
	[dreg:$0x0] =	wrdreg $0x0  }
0xa8: {  	s4 =	sshll.u32 s28, $0x1;
	[dreg:$0x2] =	wrdreg s2  }
0xa9: {  	[dreg:$0x3] =	wrdreg s4  }
0xaa: {  	[dreg:$0x4] =	wrdreg $0xC0  }
0xab: {  	_ =	task [dreg:s6], $0x5FFFF  }
0xac: {  	[dreg:$0x1] =	wrdreg $0xFFFFFFFF  }
0xad: {  	[dreg:$0x0] =	wrdreg $0x60  }
0xae: {  	[dreg:$0x2] =	wrdreg s24  }
0xaf: {  	[dreg:$0x3] =	wrdreg $0xA  }
0xb0: {  	_ =	task.clear_ibuf [dreg:s6], $0x4FFFF;
	_ =	strace $0x90000046  }
0xb1: {  	s29 =	simm.s32 $0xA;
	_ =	strace $0x80000048  }
0xb2: {  	_ =	swait.ge [sflag:s29], $0x1  }
0xb3: {  	[sflag:s29] =	ssyncadd.s32 $0xFFFFFFFF  }
0xb4: {  	_ =	strace $0x90000048  }
0xb5: {  	_ =	sfence  }
0xb6: {  	s30 =	sld [smem:$0x0];
	_ =	sdelay $0x2  }
0xb7: {  	s31 =	sshll.u32 s1, $0xD;
	s1 =	sshrl.u32 s1, $0x2  }
0xb8: {  	s3 =	sand.u32 $0x4000, s31;
	s1 =	sadd.s32 s1, s30  }
0xb9: {  	s0 =	sor.u32 s3, s0;
	s1 =	sshll.u32 s1, $0x11  }
0xba: {  	s0 =	sor.u32 s1, s0  }
0xbb: {  	s0 =	sadd.s32 $0x8F2B, s0  }
0xbc: {  	[sflag:s0] =	ssyncadd.remote.s32 $0x1  }
0xbd: {  	_ =	sfence.sel $0xFFFF  }
0xbe: {  	[dreg:$0x0] =	wrdreg $0xFFFFFFFF;
	(pc) =	sbr.abs _section_cstart, $3  }
0xbf: {  	[dreg:$0x1] =	wrdreg $0xFFFFFFFF  }
0xc0: {  	_ =	task.clear_ibuf [dreg:s6], $0x2FFFF;
	_ =	strace $0x9FFFFFFF  }
0xc1: {  	(tm) =	ssettm $0x7FFFFFFF  }
tec
execute0_lowered:
.L_overlay_start_1:
0x0: {  	(tag) =	ssettag $0x1  }
0x1: {  	s4 =	rddreg [dreg:$0x0];
	s2 =	simm.s32 $0x0;
	s0 =	stileid.u32  }
0x2: {  	s3 =	srdreg.scid;
	s17 =	simm.s32 $0x200;
	s25 =	smul.u32 $0xC40, s0  }
0x3: {  	s18 =	simm.s32 $0x2;
	s19 =	simm.s32 $0x4200;
	s26 =	smul.u32 $0xC4, s0  }
0x4: {  	s20 =	simm.s32 $0x7;
	s10 =	sand.u32 $0x1, s3;
	s29 =	smul.u32 $0x62000, s0  }
0x5: {  	[smem:$0x7FF] =	sst s2;
	s3 =	sadd.s32 $0x1BAA00, s4;
	s16 =	smul.u32 $0x62, s10  }
0x6: {  	s5 =	sshll.u32 s0, $0x1;
	s9 =	sadd.s32 $0x189A00, s4;
	s28 =	smul.u32 $0x620, s10  }
0x7: {  	s11 =	sadd.s32 $0x1A2200, s4;
	s5 =	sor.u32 s10, s5;
	s31 =	smul.u32 $0x31000, s10  }
0x8: {  	s12 =	sadd.s32 $0x27E000, s4;
	_ =	strace $0x80000047;
	s21 =	smul.u32 $0x3100, s5  }
0x9: {  	s6 =	ssub.s32 $0x2, s10;
	s7 =	smul.u32 $0x62, s5;
	s8 =	sshll.u32 s5, $0x8  }
0xa: {  	s13 =	sshrl.u32 s6, $0x1;
	s5 =	smul.u32 $0x620, s5;
	s22 =	sand.u32 $0x300, s8  }
0xb: {  	s23 =	ssub.s32 s6, s13;
	s13 =	simm.s32 $0x100;
	s14 =	sand.u32 $0x7FC00, s21  }
0xc: {  	s24 =	sor.u32 $0x1, s7;
	s5 =	sadd.s32 s11, s5;
	s8 =	smax.u32 s23, $0x1  }
0xd: {  	s21 =	simm.s32 $0x3;
	s23 =	simm.s32 $0x4;
	s4 =	sor.u32 s22, s14  }
0xe: {  	s7 =	sshll.u32 s24, $0x7;
	s15 =	sshll.u32 s24, $0x4;
	s22 =	simm.s32 $0x8  }
0xf: {  	s24 =	simm.s32 $0x5;
	s4 =	sshrl.u32 s4, $0x3;
	s7 =	sand.u32 $0x380, s7  }
0x10: {  	s4 =	sadd.s32 s9, s4;
	s7 =	sor.u32 s14, s7;
	s14 =	sadd.s32 s16, s26  }
0x11: {  	v0 =	vlaneseq.u32;
	s16 =	simm.s32 $0x1;
	s26 =	simm.s32 $0x0;
	s7 =	sshrl.u32 s7, $0x3  }
.Ltmp0:
0x12: {  	v7 =	vmul.u32 $0x80, v0;
	s14 =	sshll.u32 s14, $0xB;
	s6 =	sadd.s32 s9, s7;
	(pc) =	sbr.rel .LBB2_1-.Ltmp0, $4  }
0x13: {  	s7 =	sadd.s32 s11, s15;
	s9 =	sadd.s32 s25, s9;
	s11 =	sadd.s32 s25, s11  }
0x14: {  	v0 =	vor.u32 $0x3, v7;
	v1 =	vor.u32 $0x803, v7;
	s30 =	sadd.s32 s14, s12;
	s12 =	sadd.s32 s29, s12;
	s14 =	simm.s32 $0x80  }
0x15: {  	v2 =	vor.u32 $0x1003, v7;
	v3 =	vor.u32 $0x1803, v7;
	v4 =	vor.u32 $0x2003, v7;
	s15 =	simm.s32 $0x180;
	s25 =	simm.s32 $0x6;
	s9 =	sadd.s32 s28, s9  }
0x16: {  	v5 =	vor.u32 $0x2803, v7;
	v6 =	vor.u32 $0x3003, v7;
	v7 =	vor.u32 $0x3803, v7;
	s10 =	sadd.s32 s28, s11;
	s11 =	sadd.s32 $0x800, s30;
	s12 =	sadd.s32 s31, s12  }
.LBB2_4:
0x17: {  	s26 =	sadd.s32 $0x1, s26  }
0x18: {  	_ =	swait.ge [sflag:s24], $0x4000;
	p0 =	sne.s32 s26, s8  }
.Ltmp1:
0x19: {  	[sflag:s24] =	ssyncset.done $0x0;
	(pc) =	sbr.rel @!p0 .LBB2_5-.Ltmp1, $4  }
0x1a: {  	[sflag:s24] =	ssyncadd.s32 $0xFFFFC000  }
0x1b: {  	_ =	swait.ge [sflag:s25], $0x4000  }
0x1c: {  	[sflag:s25] =	ssyncset.done $0x0  }
0x1d: {  	[sflag:s25] =	ssyncadd.s32 $0xFFFFC000  }
.LBB2_1:
0x1e: {  	[tilespmem:s2], [sflag:$0x1] =	stream.linear.gather [hbm4b:s4+s2], $0x80, $0x38;
	[tilespmem:$0x8200] =	vst v63  }
0x1f: {  	_ = 	snop  }
0x20: {  	[tilespmem:s13], [sflag:$0x3] =	stream.linear.gather [hbm4b:s5+s2], $0x80, $0x38;
	[tilespmem:$0x8200] =	vst v63  }
0x21: {  	_ = 	snop  }
0x22: {  	[tilespmem:s14], [sflag:$0x2] =	stream.linear.gather [hbm4b:s6+s2], $0x80, $0x38;
	[tilespmem:$0x8200] =	vst v63  }
0x23: {  	_ = 	snop  }
0x24: {  	[tilespmem:s15], [sflag:$0x4] =	stream.linear.gather [hbm4b:s7+s2], $0x80, $0x38;
	[tilespmem:$0x8200] =	vst v63  }
0x25: {  	_ =	swait.ge [sflag:s16], $0x80  }
0x26: {  	s28 =	smov.u32 s12;
	[sflag:s16] =	ssyncset.done $0x0  }
0x27: {  	s29 =	smov.u32 s11;
	s30 =	simm.s32 $0x0;
	[sflag:s16] =	ssyncadd.s32 $0xFFFFFF80  }
0x28: {  	[tilespmem:s17], [sflag:$0x7] =	stream.indirect.gather [hbm4b:s3+s14], $0x80, s2, s14, $0xb8;
	[tilespmem:$0x8200] =	vst v63  }
.LBB2_2:
0x29: {  	_ =	swait.ge [sflag:s18], $0x80  }
0x2a: {  	p0 =	seq.s32 s30, $0x0;
	[sflag:s18] =	ssyncset.done $0x0  }
0x2b: {  	s31 =	simm.s32 @!p0 $0x6;
	[sflag:s18] =	ssyncadd.s32 $0xFFFFFF80  }
0x2c: {  	_ =	swait.ge @!p0 [sflag:s31], $0x4000  }
0x2d: {  	[sflag:s31] =	ssyncset.done @!p0 $0x0  }
0x2e: {  	[sflag:s31] =	ssyncadd.s32 @!p0 $0xFFFFC000  }
0x2f: {  	[tilespmem:s19], [sflag:$0x8] =	stream.indirect.gather [hbm4b:s3+s14], $0x80, s14, s14, $0xb8;
	[tilespmem:$0x8200] =	vst v63  }
0x30: {  	_ =	swait.ge [sflag:s20], $0x4000  }
0x31: {  	[sflag:s20] =	ssyncset.done $0x0  }
0x32: {  	[sflag:s20] =	ssyncadd.s32 $0xFFFFC000  }
0x33: {  	_ =	swait.ge [sflag:s21], $0x80  }
0x34: {  	[sflag:s21] =	ssyncset.done $0x0  }
0x35: {  	[sflag:s21] =	ssyncadd.s32 $0xFFFFFF80  }
0x36: {  	v8 =	vld [tilespmem:$0x100];
	_ =	sdelay $0x4  }
0x37: {  	[tilespmem:v0+s17+$0x0] =	vst.idx.msk $0xffff, v8  }
0x38: {  	v8 =	vld [tilespmem:$0x110];
	_ =	sdelay $0x4  }
0x39: {  	[tilespmem:v1+s17+$0x0] =	vst.idx.msk $0xffff, v8  }
0x3a: {  	v8 =	vld [tilespmem:$0x120];
	_ =	sdelay $0x4  }
0x3b: {  	[tilespmem:v2+s17+$0x0] =	vst.idx.msk $0xffff, v8  }
0x3c: {  	v8 =	vld [tilespmem:$0x130];
	_ =	sdelay $0x4  }
0x3d: {  	[tilespmem:v3+s17+$0x0] =	vst.idx.msk $0xffff, v8  }
0x3e: {  	v8 =	vld [tilespmem:$0x140];
	_ =	sdelay $0x4  }
0x3f: {  	[tilespmem:v4+s17+$0x0] =	vst.idx.msk $0xffff, v8  }
0x40: {  	v8 =	vld [tilespmem:$0x150];
	_ =	sdelay $0x4  }
0x41: {  	[tilespmem:v5+s17+$0x0] =	vst.idx.msk $0xffff, v8  }
0x42: {  	v8 =	vld [tilespmem:$0x160];
	_ =	sdelay $0x4  }
0x43: {  	[tilespmem:v6+s17+$0x0] =	vst.idx.msk $0xffff, v8  }
0x44: {  	v8 =	vld [tilespmem:$0x170];
	_ =	sdelay $0x3  }
0x45: {  	p0 =	seq.s32 s30, $0x600  }
0x46: {  	s31 =	sadd.s32 @!p0 s30, s9;
	[tilespmem:v7+s17+$0x0] =	vst.idx.msk $0xffff, v8  }
0x47: {  	[hbm4b:s28+s2] =	stream.linear.scatter [tilespmem:s17], [sflag:$0x5], $0x4000, $0x38;
	[tilespmem:$0x8200] =	vst v63  }
0x48: {  	s0 =	simm.s32 @!p0 $0x0;
	s31 =	sadd.s32 @!p0 $0x20, s31  }
0x49: {  	[tilespmem:s0], [sflag:$0x1] =	stream.linear.gather @!p0 [hbm4b:s31+s0], $0x80, $0x38;
	[tilespmem:$0x8200] =	vst v63  }
0x4a: {  	s31 =	sadd.s32 @!p0 s30, s10  }
0x4b: {  	s1 =	simm.s32 @!p0 $0x100;
	s31 =	sadd.s32 @!p0 $0x20, s31  }
0x4c: {  	[tilespmem:s1], [sflag:$0x3] =	stream.linear.gather @!p0 [hbm4b:s31+s0], $0x80, $0x38;
	[tilespmem:$0x8200] =	vst v63  }
0x4d: {  	s1 =	simm.s32 @!p0 $0x1  }
0x4e: {  	_ =	swait.ge @!p0 [sflag:s1], $0x80  }
0x4f: {  	[sflag:s1] =	ssyncset.done @!p0 $0x0  }
0x50: {  	[sflag:s1] =	ssyncadd.s32 @!p0 $0xFFFFFF80;
	s1 =	simm.s32 @!p0 $0x5  }
0x51: {  	_ =	swait.ge @!p0 [sflag:s1], $0x4000  }
0x52: {  	[sflag:s1] =	ssyncset.done @!p0 $0x0  }
0x53: {  	s31 =	simm.s32 @!p0 $0x200;
	[sflag:s1] =	ssyncadd.s32 @!p0 $0xFFFFC000;
	s1 =	simm.s32 @!p0 $0x80  }
0x54: {  	[tilespmem:s31], [sflag:$0x7] =	stream.indirect.gather @!p0 [hbm4b:s3+s1], $0x80, s0, s1, $0xb8;
	[tilespmem:$0x8200] =	vst v63  }
0x55: {  	_ =	swait.ge [sflag:s22], $0x4000  }
0x56: {  	[sflag:s22] =	ssyncset.done $0x0  }
0x57: {  	[sflag:s22] =	ssyncadd.s32 $0xFFFFC000  }
0x58: {  	_ =	swait.ge [sflag:s23], $0x80  }
0x59: {  	[sflag:s23] =	ssyncset.done $0x0  }
0x5a: {  	[sflag:s23] =	ssyncadd.s32 $0xFFFFFF80  }
0x5b: {  	v8 =	vld [tilespmem:$0x180];
	_ =	sdelay $0x4  }
0x5c: {  	[tilespmem:v0+s19+$0x0] =	vst.idx.msk $0xffff, v8  }
0x5d: {  	v8 =	vld [tilespmem:$0x190];
	_ =	sdelay $0x4  }
0x5e: {  	[tilespmem:v1+s19+$0x0] =	vst.idx.msk $0xffff, v8  }
0x5f: {  	v8 =	vld [tilespmem:$0x1A0];
	_ =	sdelay $0x4  }
0x60: {  	[tilespmem:v2+s19+$0x0] =	vst.idx.msk $0xffff, v8  }
0x61: {  	v8 =	vld [tilespmem:$0x1B0];
	_ =	sdelay $0x4  }
0x62: {  	[tilespmem:v3+s19+$0x0] =	vst.idx.msk $0xffff, v8  }
0x63: {  	v8 =	vld [tilespmem:$0x1C0];
	_ =	sdelay $0x4  }
0x64: {  	[tilespmem:v4+s19+$0x0] =	vst.idx.msk $0xffff, v8  }
0x65: {  	v8 =	vld [tilespmem:$0x1D0];
	_ =	sdelay $0x4  }
0x66: {  	[tilespmem:v5+s19+$0x0] =	vst.idx.msk $0xffff, v8  }
0x67: {  	v8 =	vld [tilespmem:$0x1E0];
	_ =	sdelay $0x4  }
0x68: {  	[tilespmem:v6+s19+$0x0] =	vst.idx.msk $0xffff, v8  }
0x69: {  	v8 =	vld [tilespmem:$0x1F0];
	_ =	sdelay $0x1  }
.Ltmp2:
0x6a: {  	_ = 	snop;
	(pc) =	sbr.rel @p0 .LBB2_4-.Ltmp2, $3  }
0x6b: {  	_ =	sdelay $0x1  }
0x6c: {  	[tilespmem:v7+s19+$0x0] =	vst.idx.msk $0xffff, v8  }
0x6d: {  	[hbm4b:s29+s2] =	stream.linear.scatter [tilespmem:s19], [sflag:$0x6], $0x4000, $0x38;
	[tilespmem:$0x8200] =	vst v63  }
.Ltmp3:
0x6e: {  	s0 =	sadd.s32 s30, s9;
	(pc) =	sbr.rel .LBB2_2-.Ltmp3, $4  }
0x6f: {  	s31 =	sadd.s32 s30, s10;
	s30 =	sadd.s32 $0x20, s30;
	s0 =	sadd.s32 $0x30, s0  }
0x70: {  	[tilespmem:s14], [sflag:$0x2] =	stream.linear.gather [hbm4b:s0+s2], $0x80, $0x38;
	[tilespmem:$0x8200] =	vst v63  }
0x71: {  	s29 =	sadd.s32 $0x1000, s29;
	s28 =	sadd.s32 $0x1000, s28;
	s0 =	sadd.s32 $0x30, s31  }
0x72: {  	[tilespmem:s15], [sflag:$0x4] =	stream.linear.gather [hbm4b:s0+s2], $0x80, $0x38;
	[tilespmem:$0x8200] =	vst v63  }
.LBB2_5:
0x73: {  	_ =	sfence.sel $0x180000  }
0x74: {  	[bflag:$0x0] =	sbarrier.arrive $0xFFFF  }
0x75: {  	_ =	strace $0x90000047  }
0x76: {  	s0 =	stileid.u32;
	[bflag:$0x2] =	sbarrier.arrive $0xFFFF  }
0x77: {  	p0 =	sne.s32 s0, $0x0;
	s0 =	rddreg [dreg:$0x1]  }
0x78: {  	s0 =	sadd.s32 @!p0 $0x100000, s0  }
0x79: {  	[sflag:s0] =	ssyncadd.tile.s32 @!p0 $0x1;
	_ =	shalt  }
.Lfunc_end2:
_tile_overlayer_lowered:
.L_overlay_start_2:
0x7a: {  	(tag) =	ssettag $0x2  }
0x7b: {  	s0 =	rddreg [dreg:$0x0];
	s2 =	stileid.u32  }
0x7c: {  	s1 =	rddreg [dreg:$0x1];
	p0 =	sne.s32 s2, $0x0  }
0x7d: {  	s3 =	rddreg [dreg:$0x2];
	[bflag:$0x3] =	sbarrier.arrive $0xFFFF;
	s2 =	simm.s32 @!p0 $0x1C09  }
0x7e: {  	[timem:s3], [sflag:s2] =	dma.local @!p0 [hbm:s0], s1  }
0x7f: {  	s0 =	simm.s32 @!p0 $0x9  }
0x80: {  	_ =	swait.ge @!p0 [sflag:s0], s1  }
0x81: {  	s1 =	ssub.s32 @!p0 $0x0, s1;
	[sflag:s0] =	ssyncset.done @!p0 $0x0  }
0x82: {  	[sflag:s0] =	ssyncadd.s32 @!p0 s1  }
0x83: {  	[bflag:$0x3] =	sbarrier.arrive $0xFFFF  }
0x84: {  	_ =	shalt  }

</sc_bundles>
